<compile_context>
chip_gen: v7x
topology: tpu7x:2x2x1
jax: 0.10.2.dev20260603
libtpu: 0.0.44.dev20260713+nightly
codegen_flags: <defaults>
</compile_context>

<pallas_src>
import functools

import jax
import jax.numpy as jnp
from jax import lax
from jax.experimental import pallas as pl
from jax.experimental.pallas import tpu as pltpu
from jax.experimental.pallas import tpu_sc as plsc

V = 1000000
D = 64
B = 16384
IN = 4 * D

NC = 2
NS = 16
NW = NC * NS
BPW = B // NW
CT = 16
T = BPW // CT
IDXW = CT * 8


def _gather_features(x_real, x_imag, myi, opi):
  mesh = plsc.VectorSubcoreMesh(core_axis_name="c", subcore_axis_name="s")

  @functools.partial(
      pl.kernel,
      mesh=mesh,
      compiler_params=pltpu.CompilerParams(use_tc_tiling_on_sc=False),
      out_type=jax.ShapeDtypeStruct((B, IN), jnp.float32),
      scratch_types=[
          pltpu.VMEM((T, IDXW), jnp.int32),
          pltpu.VMEM((T, IDXW), jnp.int32),
          pltpu.VMEM((IDXW, D), jnp.float32),
          pltpu.VMEM((IDXW, D), jnp.float32),
          pltpu.VMEM((IDXW, D), jnp.float32),
          pltpu.VMEM((IDXW, D), jnp.float32),
          pltpu.VMEM((CT, IN), jnp.float32),
          pltpu.SemaphoreType.DMA,
      ],
  )
  def k(xr, xi, my_h, op_h, out, myv, opv, b0, b1, b2, b3, acc, sem):
    wid = lax.axis_index("s") * NC + lax.axis_index("c")
    pltpu.sync_copy(my_h.at[wid], myv)
    pltpu.sync_copy(op_h.at[wid], opv)
    bufs = (b0, b1, b2, b3)

    def tile(t, carry):
      cps = [
          pltpu.async_copy(xr.at[myv.at[t]], b0, sem),
          pltpu.async_copy(xi.at[myv.at[t]], b1, sem),
          pltpu.async_copy(xr.at[opv.at[t]], b2, sem),
          pltpu.async_copy(xi.at[opv.at[t]], b3, sem),
      ]
      for cp in cps:
        cp.wait()

      def row(b, c2):
        base = b * 8
        for ci, buf in enumerate(bufs):
          for dc in range(D // 16):
            sl = pl.ds(dc * 16, 16)
            s = buf[base, sl]
            for j in range(1, 8):
              s = s + buf[base + j, sl]
            acc[b, pl.ds(ci * D + dc * 16, 16)] = s
        return c2

      lax.fori_loop(0, CT, row, 0)
      pltpu.sync_copy(acc, out.at[pl.ds(wid * BPW + t * CT, CT)])
      return carry

    lax.fori_loop(0, T, tile, 0)

  return k(x_real, x_imag, myi, opi)


def _mlp(features, w1t, b1, gamma, beta, w2t, b2, w3, b3):
  BLK = 2048

  def body(f_ref, w1_ref, b1_ref, g_ref, be_ref, w2_ref, b2_ref, w3_ref,
           b3_ref, o_ref):
    f = f_ref[...]
    h = jnp.dot(f, w1_ref[...], preferred_element_type=jnp.float32)
    h = h + b1_ref[...]
    mu = jnp.mean(h, axis=-1, keepdims=True)
    var = jnp.mean((h - mu) ** 2, axis=-1, keepdims=True)
    h = (h - mu) * lax.rsqrt(var + 1e-5) * g_ref[...] + be_ref[...]
    h = jnp.maximum(h, 0.0)
    h2 = jnp.dot(h, w2_ref[...], preferred_element_type=jnp.float32)
    h2 = jnp.maximum(h2 + b2_ref[...], 0.0)
    o_ref[...] = jnp.sum(h2 * w3_ref[...], axis=1) + b3_ref[0]

  return pl.pallas_call(
      body,
      grid=(B // BLK,),
      in_specs=[
          pl.BlockSpec((BLK, IN), lambda i: (i, 0)),
          pl.BlockSpec((IN, 256), lambda i: (0, 0)),
          pl.BlockSpec((256,), lambda i: (0,)),
          pl.BlockSpec((256,), lambda i: (0,)),
          pl.BlockSpec((256,), lambda i: (0,)),
          pl.BlockSpec((256, 64), lambda i: (0, 0)),
          pl.BlockSpec((64,), lambda i: (0,)),
          pl.BlockSpec((1, 64), lambda i: (0, 0)),
          pl.BlockSpec((1,), lambda i: (0,)),
      ],
      out_specs=pl.BlockSpec((BLK,), lambda i: (i,)),
      out_shape=jax.ShapeDtypeStruct((B,), jnp.float32),
  )(features, w1t, b1, gamma, beta, w2t, b2, w3, b3)


def kernel(x_real, x_imag, my_decks, op_decks, W1, b1, gamma, beta, W2, b2,
           W3, b3):
  myi = my_decks.astype(jnp.int32).reshape(NW, T, IDXW)
  opi = op_decks.astype(jnp.int32).reshape(NW, T, IDXW)
  feats = _gather_features(x_real, x_imag, myi, opi)
  return _mlp(feats, W1.T, b1, gamma, beta, W2.T, b2, W3, b3)

# --- scband reference (transcript-rebuilt; emitter-appended) ---
"""Pipeline reference for scband-simple-sum-predictor-23081154249276 (READ-ONLY COPY).

The authoritative reference and input builder live on the scoring server;
editing this copy changes nothing except your own understanding.
"""

import jax, jax.numpy as jnp
import numpy as np

V = 1000000
D = 64
B = 16384
IN = D * 4  # 256


def setup_inputs(seed: int = 0) -> dict:
    key = jax.random.key(seed)
    ks = jax.random.split(key, 12)
    x_real = jax.random.normal(ks[0], (V, D), dtype=jnp.float32)
    x_imag = jax.random.normal(ks[1], (V, D), dtype=jnp.float32)
    my_decks = jax.random.randint(ks[2], (B, 8), 0, V, dtype=jnp.int32).astype(jnp.int64)
    op_decks = jax.random.randint(ks[3], (B, 8), 0, V, dtype=jnp.int32).astype(jnp.int64)
    s1 = 1.0 / np.sqrt(IN)
    W1 = jax.random.uniform(ks[4], (256, IN), minval=-s1, maxval=s1, dtype=jnp.float32)
    b1 = jax.random.uniform(ks[5], (256,), minval=-s1, maxval=s1, dtype=jnp.float32)
    gamma = jnp.ones((256,), dtype=jnp.float32)
    beta = jnp.zeros((256,), dtype=jnp.float32)
    s2 = 1.0 / np.sqrt(256)
    W2 = jax.random.uniform(ks[6], (64, 256), minval=-s2, maxval=s2, dtype=jnp.float32)
    b2 = jax.random.uniform(ks[7], (64,), minval=-s2, maxval=s2, dtype=jnp.float32)
    s3 = 1.0 / np.sqrt(64)
    W3 = jax.random.uniform(ks[8], (1, 64), minval=-s3, maxval=s3, dtype=jnp.float32)
    b3 = jax.random.uniform(ks[9], (1,), minval=-s3, maxval=s3, dtype=jnp.float32)
    return {"x_real": x_real, "x_imag": x_imag, "my_decks": my_decks, "op_decks": op_decks,
            "W1": W1, "b1": b1, "gamma": gamma, "beta": beta,
            "W2": W2, "b2": b2, "W3": W3, "b3": b3}


def _layernorm(x, gamma, beta, eps=1e-5):
    mu = jnp.mean(x, axis=-1, keepdims=True)
    var = jnp.mean((x - mu) ** 2, axis=-1, keepdims=True)
    return (x - mu) / jnp.sqrt(var + eps) * gamma + beta


def reference(x_real, x_imag, my_decks, op_decks, W1, b1, gamma, beta, W2, b2, W3, b3):
    my_real = jnp.take(x_real, my_decks, axis=0)   # [B, 8, D]
    my_imag = jnp.take(x_imag, my_decks, axis=0)
    op_real = jnp.take(x_real, op_decks, axis=0)
    op_imag = jnp.take(x_imag, op_decks, axis=0)
    my_real_sum = my_real.sum(axis=1)
    my_imag_sum = my_imag.sum(axis=1)
    op_real_sum = op_real.sum(axis=1)
    op_imag_sum = op_imag.sum(axis=1)
    features = jnp.concatenate([my_real_sum, my_imag_sum, op_real_sum, op_imag_sum], axis=-1)  # [B, 4D]
    h = features @ W1.T + b1
    h = _layernorm(h, gamma, beta)
    h = jax.nn.relu(h)
    # dropout is identity in eval mode
    h = jax.nn.relu(h @ W2.T + b2)
    logits = h @ W3.T + b3
    return jnp.squeeze(logits, axis=-1)

if __name__ == "__main__":
    import jax
    _d = setup_inputs()
    print(jax.jit(kernel)(*tuple(_d.values())))

</pallas_src>

<mosaic_0001>
#map = affine_map<(d0, d1) -> (0, 0)>
#map1 = affine_map<(d0, d1) -> (0, 0, 0)>
module attributes {stable_mosaic.version = 14 : i64} {
  func.func @k(%arg0: i32, %arg1: i32, %arg2: memref<1000000x64xf32, #tpu.memory_space<hbm>>, %arg3: memref<1000000x64xf32, #tpu.memory_space<hbm>>, %arg4: memref<32x32x128xi32, #tpu.memory_space<hbm>>, %arg5: memref<32x32x128xi32, #tpu.memory_space<hbm>>, %arg6: memref<16384x256xf32, #tpu.memory_space<hbm>>, %arg7: memref<32x128xi32, #tpu.memory_space<vmem>>, %arg8: memref<32x128xi32, #tpu.memory_space<vmem>>, %arg9: memref<128x64xf32, #tpu.memory_space<vmem>>, %arg10: memref<128x64xf32, #tpu.memory_space<vmem>>, %arg11: memref<128x64xf32, #tpu.memory_space<vmem>>, %arg12: memref<128x64xf32, #tpu.memory_space<vmem>>, %arg13: memref<16x256xf32, #tpu.memory_space<vmem>>, %arg14: memref<!tpu.dma_semaphore, #tpu.memory_space<semaphore_mem>>) attributes {dimension_semantics = [#tpu.dimension_semantics<core_parallel>, #tpu.dimension_semantics<subcore_parallel>], iteration_bounds = array<i64: 2, 16>, scalar_prefetch = 0 : i64, scratch_operands = 8 : i64, tpu.core_type = #tpu.core_type<sc_vector_subcore>, window_params = [{transform_indices = #map}, {transform_indices = #map}, {transform_indices = #map1}, {transform_indices = #map1}, {transform_indices = #map}]} {
    %mul3A = arith.constant 2 : i32
    %mul3A_0 = arith.muli %arg1, %mul3A : i32
    %add3A = arith.addi %mul3A_0, %arg0 : i32
    "tpu.region"() ({
      %run_scoped3A = tpu.sem_alloc : memref<!tpu.dma_semaphore, #tpu.memory_space<semaphore_mem>>
      %dma_start3A = arith.constant 0 : i32
      %dma_start3A_6 = arith.constant 0 : i32
      %dma_start3A_7 = tpu.memref_slice %arg4[%add3A, %dma_start3A, %dma_start3A_6] : memref<32x32x128xi32, #tpu.memory_space<hbm>> -> memref<1x32x128xi32, #tpu.memory_space<hbm>>
      %dma_start3A_8 = tpu.memref_squeeze %dma_start3A_7 : memref<1x32x128xi32, #tpu.memory_space<hbm>> -> memref<32x128xi32, #tpu.memory_space<hbm>>
      %dma_start3A_9 = arith.constant 0 : i32
      %dma_start3A_10 = arith.constant 0 : i32
      %dma_start3A_11 = tpu.memref_slice %arg4[%add3A, %dma_start3A_9, %dma_start3A_10] : memref<32x32x128xi32, #tpu.memory_space<hbm>> -> memref<1x32x128xi32, #tpu.memory_space<hbm>>
      %dma_start3A_12 = tpu.memref_squeeze %dma_start3A_11 : memref<1x32x128xi32, #tpu.memory_space<hbm>> -> memref<32x128xi32, #tpu.memory_space<hbm>>
      tpu.enqueue_dma source(%dma_start3A_12 : memref<32x128xi32, #tpu.memory_space<hbm>>) target(%arg7 : memref<32x128xi32, #tpu.memory_space<vmem>>) target_semaphore(%run_scoped3A : memref<!tpu.dma_semaphore, #tpu.memory_space<semaphore_mem>>)
      %dma_wait3A = arith.constant 0 : i32
      %dma_wait3A_13 = arith.constant 0 : i32
      %dma_wait3A_14 = tpu.memref_slice %arg4[%add3A, %dma_wait3A, %dma_wait3A_13] : memref<32x32x128xi32, #tpu.memory_space<hbm>> -> memref<1x32x128xi32, #tpu.memory_space<hbm>>
      %dma_wait3A_15 = tpu.memref_squeeze %dma_wait3A_14 : memref<1x32x128xi32, #tpu.memory_space<hbm>> -> memref<32x128xi32, #tpu.memory_space<hbm>>
      %dma_wait3A_16 = arith.constant 0 : i32
      %dma_wait3A_17 = arith.constant 0 : i32
      %dma_wait3A_18 = tpu.memref_slice %arg4[%add3A, %dma_wait3A_16, %dma_wait3A_17] : memref<32x32x128xi32, #tpu.memory_space<hbm>> -> memref<1x32x128xi32, #tpu.memory_space<hbm>>
      %dma_wait3A_19 = tpu.memref_squeeze %dma_wait3A_18 : memref<1x32x128xi32, #tpu.memory_space<hbm>> -> memref<32x128xi32, #tpu.memory_space<hbm>>
      tpu.wait_dma2 semaphore(%run_scoped3A : memref<!tpu.dma_semaphore, #tpu.memory_space<semaphore_mem>>) src(%dma_wait3A_19 : memref<32x128xi32, #tpu.memory_space<hbm>>) dst(%arg7 : memref<32x128xi32, #tpu.memory_space<vmem>>)
      tpu.yield
    }) : () -> ()
    "tpu.region"() ({
      %run_scoped3A = tpu.sem_alloc : memref<!tpu.dma_semaphore, #tpu.memory_space<semaphore_mem>>
      %dma_start3A = arith.constant 0 : i32
      %dma_start3A_6 = arith.constant 0 : i32
      %dma_start3A_7 = tpu.memref_slice %arg5[%add3A, %dma_start3A, %dma_start3A_6] : memref<32x32x128xi32, #tpu.memory_space<hbm>> -> memref<1x32x128xi32, #tpu.memory_space<hbm>>
      %dma_start3A_8 = tpu.memref_squeeze %dma_start3A_7 : memref<1x32x128xi32, #tpu.memory_space<hbm>> -> memref<32x128xi32, #tpu.memory_space<hbm>>
      %dma_start3A_9 = arith.constant 0 : i32
      %dma_start3A_10 = arith.constant 0 : i32
      %dma_start3A_11 = tpu.memref_slice %arg5[%add3A, %dma_start3A_9, %dma_start3A_10] : memref<32x32x128xi32, #tpu.memory_space<hbm>> -> memref<1x32x128xi32, #tpu.memory_space<hbm>>
      %dma_start3A_12 = tpu.memref_squeeze %dma_start3A_11 : memref<1x32x128xi32, #tpu.memory_space<hbm>> -> memref<32x128xi32, #tpu.memory_space<hbm>>
      tpu.enqueue_dma source(%dma_start3A_12 : memref<32x128xi32, #tpu.memory_space<hbm>>) target(%arg8 : memref<32x128xi32, #tpu.memory_space<vmem>>) target_semaphore(%run_scoped3A : memref<!tpu.dma_semaphore, #tpu.memory_space<semaphore_mem>>)
      %dma_wait3A = arith.constant 0 : i32
      %dma_wait3A_13 = arith.constant 0 : i32
      %dma_wait3A_14 = tpu.memref_slice %arg5[%add3A, %dma_wait3A, %dma_wait3A_13] : memref<32x32x128xi32, #tpu.memory_space<hbm>> -> memref<1x32x128xi32, #tpu.memory_space<hbm>>
      %dma_wait3A_15 = tpu.memref_squeeze %dma_wait3A_14 : memref<1x32x128xi32, #tpu.memory_space<hbm>> -> memref<32x128xi32, #tpu.memory_space<hbm>>
      %dma_wait3A_16 = arith.constant 0 : i32
      %dma_wait3A_17 = arith.constant 0 : i32
      %dma_wait3A_18 = tpu.memref_slice %arg5[%add3A, %dma_wait3A_16, %dma_wait3A_17] : memref<32x32x128xi32, #tpu.memory_space<hbm>> -> memref<1x32x128xi32, #tpu.memory_space<hbm>>
      %dma_wait3A_19 = tpu.memref_squeeze %dma_wait3A_18 : memref<1x32x128xi32, #tpu.memory_space<hbm>> -> memref<32x128xi32, #tpu.memory_space<hbm>>
      tpu.wait_dma2 semaphore(%run_scoped3A : memref<!tpu.dma_semaphore, #tpu.memory_space<semaphore_mem>>) src(%dma_wait3A_19 : memref<32x128xi32, #tpu.memory_space<hbm>>) dst(%arg8 : memref<32x128xi32, #tpu.memory_space<vmem>>)
      tpu.yield
    }) : () -> ()
    %scan3A = arith.constant 0 : i32
    %scan3A_1 = arith.constant 0 : i32
    %scan3A_2 = arith.constant 32 : i32
    %scan3A_3 = arith.addi %scan3A_1, %scan3A_2 : i32
    %scan3A_4 = arith.constant 1 : i32
    scf.for %scan3A_6 = %scan3A_1 to %scan3A_3 step %scan3A_4  : i32 {
      %dma_start3A = arith.constant 0 : i32
      %dma_start3A_7 = tpu.memref_slice %arg7[%scan3A_6, %dma_start3A] : memref<32x128xi32, #tpu.memory_space<vmem>> -> memref<1x128xi32, #tpu.memory_space<vmem>>
      %dma_start3A_8 = tpu.memref_squeeze %dma_start3A_7 : memref<1x128xi32, #tpu.memory_space<vmem>> -> memref<128xi32, #tpu.memory_space<vmem>>
      %dma_start3A_9 = arith.constant 0 : i32
      %dma_start3A_10 = arith.constant 0 : i32
      %dma_start3A_11 = tpu.memref_slice %arg2[%dma_start3A_9, %dma_start3A_10] : memref<1000000x64xf32, #tpu.memory_space<hbm>> -> memref<1000000x64xf32, #tpu.memory_space<hbm>>
      tpu.enqueue_indirect_dma source(%dma_start3A_11 : memref<1000000x64xf32, #tpu.memory_space<hbm>>) target(%arg9 : memref<128x64xf32, #tpu.memory_space<vmem>>) offsets(%dma_start3A_8 : memref<128xi32, #tpu.memory_space<vmem>>) semaphore(%arg14 : memref<!tpu.dma_semaphore, #tpu.memory_space<semaphore_mem>>)
      %dma_start3A_12 = arith.constant 0 : i32
      %dma_start3A_13 = tpu.memref_slice %arg7[%scan3A_6, %dma_start3A_12] : memref<32x128xi32, #tpu.memory_space<vmem>> -> memref<1x128xi32, #tpu.memory_space<vmem>>
      %dma_start3A_14 = tpu.memref_squeeze %dma_start3A_13 : memref<1x128xi32, #tpu.memory_space<vmem>> -> memref<128xi32, #tpu.memory_space<vmem>>
      %dma_start3A_15 = arith.constant 0 : i32
      %dma_start3A_16 = arith.constant 0 : i32
      %dma_start3A_17 = tpu.memref_slice %arg3[%dma_start3A_15, %dma_start3A_16] : memref<1000000x64xf32, #tpu.memory_space<hbm>> -> memref<1000000x64xf32, #tpu.memory_space<hbm>>
      tpu.enqueue_indirect_dma source(%dma_start3A_17 : memref<1000000x64xf32, #tpu.memory_space<hbm>>) target(%arg10 : memref<128x64xf32, #tpu.memory_space<vmem>>) offsets(%dma_start3A_14 : memref<128xi32, #tpu.memory_space<vmem>>) semaphore(%arg14 : memref<!tpu.dma_semaphore, #tpu.memory_space<semaphore_mem>>)
      %dma_start3A_18 = arith.constant 0 : i32
      %dma_start3A_19 = tpu.memref_slice %arg8[%scan3A_6, %dma_start3A_18] : memref<32x128xi32, #tpu.memory_space<vmem>> -> memref<1x128xi32, #tpu.memory_space<vmem>>
      %dma_start3A_20 = tpu.memref_squeeze %dma_start3A_19 : memref<1x128xi32, #tpu.memory_space<vmem>> -> memref<128xi32, #tpu.memory_space<vmem>>
      %dma_start3A_21 = arith.constant 0 : i32
      %dma_start3A_22 = arith.constant 0 : i32
      %dma_start3A_23 = tpu.memref_slice %arg2[%dma_start3A_21, %dma_start3A_22] : memref<1000000x64xf32, #tpu.memory_space<hbm>> -> memref<1000000x64xf32, #tpu.memory_space<hbm>>
      tpu.enqueue_indirect_dma source(%dma_start3A_23 : memref<1000000x64xf32, #tpu.memory_space<hbm>>) target(%arg11 : memref<128x64xf32, #tpu.memory_space<vmem>>) offsets(%dma_start3A_20 : memref<128xi32, #tpu.memory_space<vmem>>) semaphore(%arg14 : memref<!tpu.dma_semaphore, #tpu.memory_space<semaphore_mem>>)
      %dma_start3A_24 = arith.constant 0 : i32
      %dma_start3A_25 = tpu.memref_slice %arg8[%scan3A_6, %dma_start3A_24] : memref<32x128xi32, #tpu.memory_space<vmem>> -> memref<1x128xi32, #tpu.memory_space<vmem>>
      %dma_start3A_26 = tpu.memref_squeeze %dma_start3A_25 : memref<1x128xi32, #tpu.memory_space<vmem>> -> memref<128xi32, #tpu.memory_space<vmem>>
      %dma_start3A_27 = arith.constant 0 : i32
      %dma_start3A_28 = arith.constant 0 : i32
      %dma_start3A_29 = tpu.memref_slice %arg3[%dma_start3A_27, %dma_start3A_28] : memref<1000000x64xf32, #tpu.memory_space<hbm>> -> memref<1000000x64xf32, #tpu.memory_space<hbm>>
      tpu.enqueue_indirect_dma source(%dma_start3A_29 : memref<1000000x64xf32, #tpu.memory_space<hbm>>) target(%arg12 : memref<128x64xf32, #tpu.memory_space<vmem>>) offsets(%dma_start3A_26 : memref<128xi32, #tpu.memory_space<vmem>>) semaphore(%arg14 : memref<!tpu.dma_semaphore, #tpu.memory_space<semaphore_mem>>)
      %dma_wait3A = arith.constant 0 : i32
      %dma_wait3A_30 = tpu.memref_slice %arg7[%scan3A_6, %dma_wait3A] : memref<32x128xi32, #tpu.memory_space<vmem>> -> memref<1x128xi32, #tpu.memory_space<vmem>>
      %dma_wait3A_31 = tpu.memref_squeeze %dma_wait3A_30 : memref<1x128xi32, #tpu.memory_space<vmem>> -> memref<128xi32, #tpu.memory_space<vmem>>
      %dma_wait3A_32 = arith.constant 0 : i32
      %dma_wait3A_33 = arith.constant 0 : i32
      %dma_wait3A_34 = tpu.memref_slice %arg2[%dma_wait3A_32, %dma_wait3A_33] : memref<1000000x64xf32, #tpu.memory_space<hbm>> -> memref<1000000x64xf32, #tpu.memory_space<hbm>>
      tpu.wait_indirect_dma semaphore(%arg14 : memref<!tpu.dma_semaphore, #tpu.memory_space<semaphore_mem>>) src(%dma_wait3A_34 : memref<1000000x64xf32, #tpu.memory_space<hbm>>) dst(%arg9 : memref<128x64xf32, #tpu.memory_space<vmem>>)
      %dma_wait3A_35 = arith.constant 0 : i32
      %dma_wait3A_36 = tpu.memref_slice %arg7[%scan3A_6, %dma_wait3A_35] : memref<32x128xi32, #tpu.memory_space<vmem>> -> memref<1x128xi32, #tpu.memory_space<vmem>>
      %dma_wait3A_37 = tpu.memref_squeeze %dma_wait3A_36 : memref<1x128xi32, #tpu.memory_space<vmem>> -> memref<128xi32, #tpu.memory_space<vmem>>
      %dma_wait3A_38 = arith.constant 0 : i32
      %dma_wait3A_39 = arith.constant 0 : i32
      %dma_wait3A_40 = tpu.memref_slice %arg3[%dma_wait3A_38, %dma_wait3A_39] : memref<1000000x64xf32, #tpu.memory_space<hbm>> -> memref<1000000x64xf32, #tpu.memory_space<hbm>>
      tpu.wait_indirect_dma semaphore(%arg14 : memref<!tpu.dma_semaphore, #tpu.memory_space<semaphore_mem>>) src(%dma_wait3A_40 : memref<1000000x64xf32, #tpu.memory_space<hbm>>) dst(%arg10 : memref<128x64xf32, #tpu.memory_space<vmem>>)
      %dma_wait3A_41 = arith.constant 0 : i32
      %dma_wait3A_42 = tpu.memref_slice %arg8[%scan3A_6, %dma_wait3A_41] : memref<32x128xi32, #tpu.memory_space<vmem>> -> memref<1x128xi32, #tpu.memory_space<vmem>>
      %dma_wait3A_43 = tpu.memref_squeeze %dma_wait3A_42 : memref<1x128xi32, #tpu.memory_space<vmem>> -> memref<128xi32, #tpu.memory_space<vmem>>
      %dma_wait3A_44 = arith.constant 0 : i32
      %dma_wait3A_45 = arith.constant 0 : i32
      %dma_wait3A_46 = tpu.memref_slice %arg2[%dma_wait3A_44, %dma_wait3A_45] : memref<1000000x64xf32, #tpu.memory_space<hbm>> -> memref<1000000x64xf32, #tpu.memory_space<hbm>>
      tpu.wait_indirect_dma semaphore(%arg14 : memref<!tpu.dma_semaphore, #tpu.memory_space<semaphore_mem>>) src(%dma_wait3A_46 : memref<1000000x64xf32, #tpu.memory_space<hbm>>) dst(%arg11 : memref<128x64xf32, #tpu.memory_space<vmem>>)
      %dma_wait3A_47 = arith.constant 0 : i32
      %dma_wait3A_48 = tpu.memref_slice %arg8[%scan3A_6, %dma_wait3A_47] : memref<32x128xi32, #tpu.memory_space<vmem>> -> memref<1x128xi32, #tpu.memory_space<vmem>>
      %dma_wait3A_49 = tpu.memref_squeeze %dma_wait3A_48 : memref<1x128xi32, #tpu.memory_space<vmem>> -> memref<128xi32, #tpu.memory_space<vmem>>
      %dma_wait3A_50 = arith.constant 0 : i32
      %dma_wait3A_51 = arith.constant 0 : i32
      %dma_wait3A_52 = tpu.memref_slice %arg3[%dma_wait3A_50, %dma_wait3A_51] : memref<1000000x64xf32, #tpu.memory_space<hbm>> -> memref<1000000x64xf32, #tpu.memory_space<hbm>>
      tpu.wait_indirect_dma semaphore(%arg14 : memref<!tpu.dma_semaphore, #tpu.memory_space<semaphore_mem>>) src(%dma_wait3A_52 : memref<1000000x64xf32, #tpu.memory_space<hbm>>) dst(%arg12 : memref<128x64xf32, #tpu.memory_space<vmem>>)
      %scan3A_53 = arith.constant 0 : i32
      %scan3A_54 = arith.constant 0 : i32
      %scan3A_55 = arith.constant 16 : i32
      %scan3A_56 = arith.addi %scan3A_54, %scan3A_55 : i32
      %scan3A_57 = arith.constant 1 : i32
      scf.for %scan3A_64 = %scan3A_54 to %scan3A_56 step %scan3A_57  : i32 {
        %mul3A_65 = arith.constant 8 : i32
        %mul3A_66 = arith.muli %scan3A_64, %mul3A_65 : i32
        %get3A = arith.index_cast %mul3A_66 : i32 to index
        %get3A_67 = arith.constant 0 : index
        %get3A_68 = tpu.vector_load %arg9[%get3A, %get3A_67] {strides = array<i32>} : memref<128x64xf32, #tpu.memory_space<vmem>>, vector<1x16xf32>,
        %get3A_69 = vector.shape_cast %get3A_68 : vector<1x16xf32> to vector<16xf32>
        %add3A_70 = arith.constant 1 : i32
        %add3A_71 = arith.addi %mul3A_66, %add3A_70 : i32
        %get3A_72 = arith.index_cast %add3A_71 : i32 to index
        %get3A_73 = arith.constant 0 : index
        %get3A_74 = tpu.vector_load %arg9[%get3A_72, %get3A_73] {strides = array<i32>} : memref<128x64xf32, #tpu.memory_space<vmem>>, vector<1x16xf32>,
        %get3A_75 = vector.shape_cast %get3A_74 : vector<1x16xf32> to vector<16xf32>
        %add3A_76 = arith.addf %get3A_69, %get3A_75 : vector<16xf32>
        %add3A_77 = arith.constant 2 : i32
        %add3A_78 = arith.addi %mul3A_66, %add3A_77 : i32
        %get3A_79 = arith.index_cast %add3A_78 : i32 to index
        %get3A_80 = arith.constant 0 : index
        %get3A_81 = tpu.vector_load %arg9[%get3A_79, %get3A_80] {strides = array<i32>} : memref<128x64xf32, #tpu.memory_space<vmem>>, vector<1x16xf32>,
        %get3A_82 = vector.shape_cast %get3A_81 : vector<1x16xf32> to vector<16xf32>
        %add3A_83 = arith.addf %add3A_76, %get3A_82 : vector<16xf32>
        %add3A_84 = arith.constant 3 : i32
        %add3A_85 = arith.addi %mul3A_66, %add3A_84 : i32
        %get3A_86 = arith.index_cast %add3A_85 : i32 to index
        %get3A_87 = arith.constant 0 : index
        %get3A_88 = tpu.vector_load %arg9[%get3A_86, %get3A_87] {strides = array<i32>} : memref<128x64xf32, #tpu.memory_space<vmem>>, vector<1x16xf32>,
        %get3A_89 = vector.shape_cast %get3A_88 : vector<1x16xf32> to vector<16xf32>
        %add3A_90 = arith.addf %add3A_83, %get3A_89 : vector<16xf32>
        %add3A_91 = arith.constant 4 : i32
        %add3A_92 = arith.addi %mul3A_66, %add3A_91 : i32
        %get3A_93 = arith.index_cast %add3A_92 : i32 to index
        %get3A_94 = arith.constant 0 : index
        %get3A_95 = tpu.vector_load %arg9[%get3A_93, %get3A_94] {strides = array<i32>} : memref<128x64xf32, #tpu.memory_space<vmem>>, vector<1x16xf32>,
        %get3A_96 = vector.shape_cast %get3A_95 : vector<1x16xf32> to vector<16xf32>
        %add3A_97 = arith.addf %add3A_90, %get3A_96 : vector<16xf32>
        %add3A_98 = arith.constant 5 : i32
        %add3A_99 = arith.addi %mul3A_66, %add3A_98 : i32
        %get3A_100 = arith.index_cast %add3A_99 : i32 to index
        %get3A_101 = arith.constant 0 : index
        %get3A_102 = tpu.vector_load %arg9[%get3A_100, %get3A_101] {strides = array<i32>} : memref<128x64xf32, #tpu.memory_space<vmem>>, vector<1x16xf32>,
        %get3A_103 = vector.shape_cast %get3A_102 : vector<1x16xf32> to vector<16xf32>
        %add3A_104 = arith.addf %add3A_97, %get3A_103 : vector<16xf32>
        %add3A_105 = arith.constant 6 : i32
        %add3A_106 = arith.addi %mul3A_66, %add3A_105 : i32
        %get3A_107 = arith.index_cast %add3A_106 : i32 to index
        %get3A_108 = arith.constant 0 : index
        %get3A_109 = tpu.vector_load %arg9[%get3A_107, %get3A_108] {strides = array<i32>} : memref<128x64xf32, #tpu.memory_space<vmem>>, vector<1x16xf32>,
        %get3A_110 = vector.shape_cast %get3A_109 : vector<1x16xf32> to vector<16xf32>
        %add3A_111 = arith.addf %add3A_104, %get3A_110 : vector<16xf32>
        %add3A_112 = arith.constant 7 : i32
        %add3A_113 = arith.addi %mul3A_66, %add3A_112 : i32
        %get3A_114 = arith.index_cast %add3A_113 : i32 to index
        %get3A_115 = arith.constant 0 : index
        %get3A_116 = tpu.vector_load %arg9[%get3A_114, %get3A_115] {strides = array<i32>} : memref<128x64xf32, #tpu.memory_space<vmem>>, vector<1x16xf32>,
        %get3A_117 = vector.shape_cast %get3A_116 : vector<1x16xf32> to vector<16xf32>
        %add3A_118 = arith.addf %add3A_111, %get3A_117 : vector<16xf32>
        %swap3A = arith.index_cast %scan3A_64 : i32 to index
        %swap3A_119 = arith.constant 0 : index
        %swap3A_120 = tpu.vector_load %arg13[%swap3A, %swap3A_119] {strides = array<i32>} : memref<16x256xf32, #tpu.memory_space<vmem>>, vector<1x16xf32>,
        %swap3A_121 = vector.shape_cast %swap3A_120 : vector<1x16xf32> to vector<16xf32>
        %swap3A_122 = vector.shape_cast %add3A_118 : vector<16xf32> to vector<1x16xf32>
        tpu.vector_store %arg13[%swap3A, %swap3A_119], %swap3A_122 {strides = array<i32>} : memref<16x256xf32, #tpu.memory_space<vmem>>, vector<1x16xf32>,
        %get3A_123 = arith.index_cast %mul3A_66 : i32 to index
        %get3A_124 = arith.constant 16 : index
        %get3A_125 = tpu.vector_load %arg9[%get3A_123, %get3A_124] {strides = array<i32>} : memref<128x64xf32, #tpu.memory_space<vmem>>, vector<1x16xf32>,
        %get3A_126 = vector.shape_cast %get3A_125 : vector<1x16xf32> to vector<16xf32>
        %add3A_127 = arith.constant 1 : i32
        %add3A_128 = arith.addi %mul3A_66, %add3A_127 : i32
        %get3A_129 = arith.index_cast %add3A_128 : i32 to index
        %get3A_130 = arith.constant 16 : index
        %get3A_131 = tpu.vector_load %arg9[%get3A_129, %get3A_130] {strides = array<i32>} : memref<128x64xf32, #tpu.memory_space<vmem>>, vector<1x16xf32>,
        %get3A_132 = vector.shape_cast %get3A_131 : vector<1x16xf32> to vector<16xf32>
        %add3A_133 = arith.addf %get3A_126, %get3A_132 : vector<16xf32>
        %add3A_134 = arith.constant 2 : i32
        %add3A_135 = arith.addi %mul3A_66, %add3A_134 : i32
        %get3A_136 = arith.index_cast %add3A_135 : i32 to index
        %get3A_137 = arith.constant 16 : index
        %get3A_138 = tpu.vector_load %arg9[%get3A_136, %get3A_137] {strides = array<i32>} : memref<128x64xf32, #tpu.memory_space<vmem>>, vector<1x16xf32>,
        %get3A_139 = vector.shape_cast %get3A_138 : vector<1x16xf32> to vector<16xf32>
        %add3A_140 = arith.addf %add3A_133, %get3A_139 : vector<16xf32>
        %add3A_141 = arith.constant 3 : i32
        %add3A_142 = arith.addi %mul3A_66, %add3A_141 : i32
        %get3A_143 = arith.index_cast %add3A_142 : i32 to index
        %get3A_144 = arith.constant 16 : index
        %get3A_145 = tpu.vector_load %arg9[%get3A_143, %get3A_144] {strides = array<i32>} : memref<128x64xf32, #tpu.memory_space<vmem>>, vector<1x16xf32>,
        %get3A_146 = vector.shape_cast %get3A_145 : vector<1x16xf32> to vector<16xf32>
        %add3A_147 = arith.addf %add3A_140, %get3A_146 : vector<16xf32>
        %add3A_148 = arith.constant 4 : i32
        %add3A_149 = arith.addi %mul3A_66, %add3A_148 : i32
        %get3A_150 = arith.index_cast %add3A_149 : i32 to index
        %get3A_151 = arith.constant 16 : index
        %get3A_152 = tpu.vector_load %arg9[%get3A_150, %get3A_151] {strides = array<i32>} : memref<128x64xf32, #tpu.memory_space<vmem>>, vector<1x16xf32>,
        %get3A_153 = vector.shape_cast %get3A_152 : vector<1x16xf32> to vector<16xf32>
        %add3A_154 = arith.addf %add3A_147, %get3A_153 : vector<16xf32>
        %add3A_155 = arith.constant 5 : i32
        %add3A_156 = arith.addi %mul3A_66, %add3A_155 : i32
        %get3A_157 = arith.index_cast %add3A_156 : i32 to index
        %get3A_158 = arith.constant 16 : index
        %get3A_159 = tpu.vector_load %arg9[%get3A_157, %get3A_158] {strides = array<i32>} : memref<128x64xf32, #tpu.memory_space<vmem>>, vector<1x16xf32>,
        %get3A_160 = vector.shape_cast %get3A_159 : vector<1x16xf32> to vector<16xf32>
        %add3A_161 = arith.addf %add3A_154, %get3A_160 : vector<16xf32>
        %add3A_162 = arith.constant 6 : i32
        %add3A_163 = arith.addi %mul3A_66, %add3A_162 : i32
        %get3A_164 = arith.index_cast %add3A_163 : i32 to index
        %get3A_165 = arith.constant 16 : index
        %get3A_166 = tpu.vector_load %arg9[%get3A_164, %get3A_165] {strides = array<i32>} : memref<128x64xf32, #tpu.memory_space<vmem>>, vector<1x16xf32>,
        %get3A_167 = vector.shape_cast %get3A_166 : vector<1x16xf32> to vector<16xf32>
        %add3A_168 = arith.addf %add3A_161, %get3A_167 : vector<16xf32>
        %add3A_169 = arith.constant 7 : i32
        %add3A_170 = arith.addi %mul3A_66, %add3A_169 : i32
        %get3A_171 = arith.index_cast %add3A_170 : i32 to index
        %get3A_172 = arith.constant 16 : index
        %get3A_173 = tpu.vector_load %arg9[%get3A_171, %get3A_172] {strides = array<i32>} : memref<128x64xf32, #tpu.memory_space<vmem>>, vector<1x16xf32>,
        %get3A_174 = vector.shape_cast %get3A_173 : vector<1x16xf32> to vector<16xf32>
        %add3A_175 = arith.addf %add3A_168, %get3A_174 : vector<16xf32>
        %swap3A_176 = arith.index_cast %scan3A_64 : i32 to index
        %swap3A_177 = arith.constant 16 : index
        %swap3A_178 = tpu.vector_load %arg13[%swap3A_176, %swap3A_177] {strides = array<i32>} : memref<16x256xf32, #tpu.memory_space<vmem>>, vector<1x16xf32>,
        %swap3A_179 = vector.shape_cast %swap3A_178 : vector<1x16xf32> to vector<16xf32>
        %swap3A_180 = vector.shape_cast %add3A_175 : vector<16xf32> to vector<1x16xf32>
        tpu.vector_store %arg13[%swap3A_176, %swap3A_177], %swap3A_180 {strides = array<i32>} : memref<16x256xf32, #tpu.memory_space<vmem>>, vector<1x16xf32>,
        %get3A_181 = arith.index_cast %mul3A_66 : i32 to index
        %get3A_182 = arith.constant 32 : index
        %get3A_183 = tpu.vector_load %arg9[%get3A_181, %get3A_182] {strides = array<i32>} : memref<128x64xf32, #tpu.memory_space<vmem>>, vector<1x16xf32>,
        %get3A_184 = vector.shape_cast %get3A_183 : vector<1x16xf32> to vector<16xf32>
        %add3A_185 = arith.constant 1 : i32
        %add3A_186 = arith.addi %mul3A_66, %add3A_185 : i32
        %get3A_187 = arith.index_cast %add3A_186 : i32 to index
        %get3A_188 = arith.constant 32 : index
        %get3A_189 = tpu.vector_load %arg9[%get3A_187, %get3A_188] {strides = array<i32>} : memref<128x64xf32, #tpu.memory_space<vmem>>, vector<1x16xf32>,
        %get3A_190 = vector.shape_cast %get3A_189 : vector<1x16xf32> to vector<16xf32>
        %add3A_191 = arith.addf %get3A_184, %get3A_190 : vector<16xf32>
        %add3A_192 = arith.constant 2 : i32
        %add3A_193 = arith.addi %mul3A_66, %add3A_192 : i32
        %get3A_194 = arith.index_cast %add3A_193 : i32 to index
        %get3A_195 = arith.constant 32 : index
        %get3A_196 = tpu.vector_load %arg9[%get3A_194, %get3A_195] {strides = array<i32>} : memref<128x64xf32, #tpu.memory_space<vmem>>, vector<1x16xf32>,
        %get3A_197 = vector.shape_cast %get3A_196 : vector<1x16xf32> to vector<16xf32>
        %add3A_198 = arith.addf %add3A_191, %get3A_197 : vector<16xf32>
        %add3A_199 = arith.constant 3 : i32
        %add3A_200 = arith.addi %mul3A_66, %add3A_199 : i32
        %get3A_201 = arith.index_cast %add3A_200 : i32 to index
        %get3A_202 = arith.constant 32 : index
        %get3A_203 = tpu.vector_load %arg9[%get3A_201, %get3A_202] {strides = array<i32>} : memref<128x64xf32, #tpu.memory_space<vmem>>, vector<1x16xf32>,
        %get3A_204 = vector.shape_cast %get3A_203 : vector<1x16xf32> to vector<16xf32>
        %add3A_205 = arith.addf %add3A_198, %get3A_204 : vector<16xf32>
        %add3A_206 = arith.constant 4 : i32
        %add3A_207 = arith.addi %mul3A_66, %add3A_206 : i32
        %get3A_208 = arith.index_cast %add3A_207 : i32 to index
        %get3A_209 = arith.constant 32 : index
        %get3A_210 = tpu.vector_load %arg9[%get3A_208, %get3A_209] {strides = array<i32>} : memref<128x64xf32, #tpu.memory_space<vmem>>, vector<1x16xf32>,
        %get3A_211 = vector.shape_cast %get3A_210 : vector<1x16xf32> to vector<16xf32>
        %add3A_212 = arith.addf %add3A_205, %get3A_211 : vector<16xf32>
        %add3A_213 = arith.constant 5 : i32
        %add3A_214 = arith.addi %mul3A_66, %add3A_213 : i32
        %get3A_215 = arith.index_cast %add3A_214 : i32 to index
        %get3A_216 = arith.constant 32 : index
        %get3A_217 = tpu.vector_load %arg9[%get3A_215, %get3A_216] {strides = array<i32>} : memref<128x64xf32, #tpu.memory_space<vmem>>, vector<1x16xf32>,
        %get3A_218 = vector.shape_cast %get3A_217 : vector<1x16xf32> to vector<16xf32>
        %add3A_219 = arith.addf %add3A_212, %get3A_218 : vector<16xf32>
        %add3A_220 = arith.constant 6 : i32
        %add3A_221 = arith.addi %mul3A_66, %add3A_220 : i32
        %get3A_222 = arith.index_cast %add3A_221 : i32 to index
        %get3A_223 = arith.constant 32 : index
        %get3A_224 = tpu.vector_load %arg9[%get3A_222, %get3A_223] {strides = array<i32>} : memref<128x64xf32, #tpu.memory_space<vmem>>, vector<1x16xf32>,
        %get3A_225 = vector.shape_cast %get3A_224 : vector<1x16xf32> to vector<16xf32>
        %add3A_226 = arith.addf %add3A_219, %get3A_225 : vector<16xf32>
        %add3A_227 = arith.constant 7 : i32
        %add3A_228 = arith.addi %mul3A_66, %add3A_227 : i32
        %get3A_229 = arith.index_cast %add3A_228 : i32 to index
        %get3A_230 = arith.constant 32 : index
        %get3A_231 = tpu.vector_load %arg9[%get3A_229, %get3A_230] {strides = array<i32>} : memref<128x64xf32, #tpu.memory_space<vmem>>, vector<1x16xf32>,
        %get3A_232 = vector.shape_cast %get3A_231 : vector<1x16xf32> to vector<16xf32>
        %add3A_233 = arith.addf %add3A_226, %get3A_232 : vector<16xf32>
        %swap3A_234 = arith.index_cast %scan3A_64 : i32 to index
        %swap3A_235 = arith.constant 32 : index
        %swap3A_236 = tpu.vector_load %arg13[%swap3A_234, %swap3A_235] {strides = array<i32>} : memref<16x256xf32, #tpu.memory_space<vmem>>, vector<1x16xf32>,
        %swap3A_237 = vector.shape_cast %swap3A_236 : vector<1x16xf32> to vector<16xf32>
        %swap3A_238 = vector.shape_cast %add3A_233 : vector<16xf32> to vector<1x16xf32>
        tpu.vector_store %arg13[%swap3A_234, %swap3A_235], %swap3A_238 {strides = array<i32>} : memref<16x256xf32, #tpu.memory_space<vmem>>, vector<1x16xf32>,
        %get3A_239 = arith.index_cast %mul3A_66 : i32 to index
        %get3A_240 = arith.constant 48 : index
        %get3A_241 = tpu.vector_load %arg9[%get3A_239, %get3A_240] {strides = array<i32>} : memref<128x64xf32, #tpu.memory_space<vmem>>, vector<1x16xf32>,
        %get3A_242 = vector.shape_cast %get3A_241 : vector<1x16xf32> to vector<16xf32>
        %add3A_243 = arith.constant 1 : i32
        %add3A_244 = arith.addi %mul3A_66, %add3A_243 : i32
        %get3A_245 = arith.index_cast %add3A_244 : i32 to index
        %get3A_246 = arith.constant 48 : index
        %get3A_247 = tpu.vector_load %arg9[%get3A_245, %get3A_246] {strides = array<i32>} : memref<128x64xf32, #tpu.memory_space<vmem>>, vector<1x16xf32>,
        %get3A_248 = vector.shape_cast %get3A_247 : vector<1x16xf32> to vector<16xf32>
        %add3A_249 = arith.addf %get3A_242, %get3A_248 : vector<16xf32>
        %add3A_250 = arith.constant 2 : i32
        %add3A_251 = arith.addi %mul3A_66, %add3A_250 : i32
        %get3A_252 = arith.index_cast %add3A_251 : i32 to index
        %get3A_253 = arith.constant 48 : index
        %get3A_254 = tpu.vector_load %arg9[%get3A_252, %get3A_253] {strides = array<i32>} : memref<128x64xf32, #tpu.memory_space<vmem>>, vector<1x16xf32>,
        %get3A_255 = vector.shape_cast %get3A_254 : vector<1x16xf32> to vector<16xf32>
        %add3A_256 = arith.addf %add3A_249, %get3A_255 : vector<16xf32>
        %add3A_257 = arith.constant 3 : i32
        %add3A_258 = arith.addi %mul3A_66, %add3A_257 : i32
        %get3A_259 = arith.index_cast %add3A_258 : i32 to index
        %get3A_260 = arith.constant 48 : index
        %get3A_261 = tpu.vector_load %arg9[%get3A_259, %get3A_260] {strides = array<i32>} : memref<128x64xf32, #tpu.memory_space<vmem>>, vector<1x16xf32>,
        %get3A_262 = vector.shape_cast %get3A_261 : vector<1x16xf32> to vector<16xf32>
        %add3A_263 = arith.addf %add3A_256, %get3A_262 : vector<16xf32>
        %add3A_264 = arith.constant 4 : i32
        %add3A_265 = arith.addi %mul3A_66, %add3A_264 : i32
        %get3A_266 = arith.index_cast %add3A_265 : i32 to index
        %get3A_267 = arith.constant 48 : index
        %get3A_268 = tpu.vector_load %arg9[%get3A_266, %get3A_267] {strides = array<i32>} : memref<128x64xf32, #tpu.memory_space<vmem>>, vector<1x16xf32>,
        %get3A_269 = vector.shape_cast %get3A_268 : vector<1x16xf32> to vector<16xf32>
        %add3A_270 = arith.addf %add3A_263, %get3A_269 : vector<16xf32>
        %add3A_271 = arith.constant 5 : i32
        %add3A_272 = arith.addi %mul3A_66, %add3A_271 : i32
        %get3A_273 = arith.index_cast %add3A_272 : i32 to index
        %get3A_274 = arith.constant 48 : index
        %get3A_275 = tpu.vector_load %arg9[%get3A_273, %get3A_274] {strides = array<i32>} : memref<128x64xf32, #tpu.memory_space<vmem>>, vector<1x16xf32>,
        %get3A_276 = vector.shape_cast %get3A_275 : vector<1x16xf32> to vector<16xf32>
        %add3A_277 = arith.addf %add3A_270, %get3A_276 : vector<16xf32>
        %add3A_278 = arith.constant 6 : i32
        %add3A_279 = arith.addi %mul3A_66, %add3A_278 : i32
        %get3A_280 = arith.index_cast %add3A_279 : i32 to index
        %get3A_281 = arith.constant 48 : index
        %get3A_282 = tpu.vector_load %arg9[%get3A_280, %get3A_281] {strides = array<i32>} : memref<128x64xf32, #tpu.memory_space<vmem>>, vector<1x16xf32>,
        %get3A_283 = vector.shape_cast %get3A_282 : vector<1x16xf32> to vector<16xf32>
        %add3A_284 = arith.addf %add3A_277, %get3A_283 : vector<16xf32>
        %add3A_285 = arith.constant 7 : i32
        %add3A_286 = arith.addi %mul3A_66, %add3A_285 : i32
        %get3A_287 = arith.index_cast %add3A_286 : i32 to index
        %get3A_288 = arith.constant 48 : index
        %get3A_289 = tpu.vector_load %arg9[%get3A_287, %get3A_288] {strides = array<i32>} : memref<128x64xf32, #tpu.memory_space<vmem>>, vector<1x16xf32>,
        %get3A_290 = vector.shape_cast %get3A_289 : vector<1x16xf32> to vector<16xf32>
        %add3A_291 = arith.addf %add3A_284, %get3A_290 : vector<16xf32>
        %swap3A_292 = arith.index_cast %scan3A_64 : i32 to index
        %swap3A_293 = arith.constant 48 : index
        %swap3A_294 = tpu.vector_load %arg13[%swap3A_292, %swap3A_293] {strides = array<i32>} : memref<16x256xf32, #tpu.memory_space<vmem>>, vector<1x16xf32>,
        %swap3A_295 = vector.shape_cast %swap3A_294 : vector<1x16xf32> to vector<16xf32>
        %swap3A_296 = vector.shape_cast %add3A_291 : vector<16xf32> to vector<1x16xf32>
        tpu.vector_store %arg13[%swap3A_292, %swap3A_293], %swap3A_296 {strides = array<i32>} : memref<16x256xf32, #tpu.memory_space<vmem>>, vector<1x16xf32>,
        %get3A_297 = arith.index_cast %mul3A_66 : i32 to index
        %get3A_298 = arith.constant 0 : index
        %get3A_299 = tpu.vector_load %arg10[%get3A_297, %get3A_298] {strides = array<i32>} : memref<128x64xf32, #tpu.memory_space<vmem>>, vector<1x16xf32>,
        %get3A_300 = vector.shape_cast %get3A_299 : vector<1x16xf32> to vector<16xf32>
        %add3A_301 = arith.constant 1 : i32
        %add3A_302 = arith.addi %mul3A_66, %add3A_301 : i32
        %get3A_303 = arith.index_cast %add3A_302 : i32 to index
        %get3A_304 = arith.constant 0 : index
        %get3A_305 = tpu.vector_load %arg10[%get3A_303, %get3A_304] {strides = array<i32>} : memref<128x64xf32, #tpu.memory_space<vmem>>, vector<1x16xf32>,
        %get3A_306 = vector.shape_cast %get3A_305 : vector<1x16xf32> to vector<16xf32>
        %add3A_307 = arith.addf %get3A_300, %get3A_306 : vector<16xf32>
        %add3A_308 = arith.constant 2 : i32
        %add3A_309 = arith.addi %mul3A_66, %add3A_308 : i32
        %get3A_310 = arith.index_cast %add3A_309 : i32 to index
        %get3A_311 = arith.constant 0 : index
        %get3A_312 = tpu.vector_load %arg10[%get3A_310, %get3A_311] {strides = array<i32>} : memref<128x64xf32, #tpu.memory_space<vmem>>, vector<1x16xf32>,
        %get3A_313 = vector.shape_cast %get3A_312 : vector<1x16xf32> to vector<16xf32>
        %add3A_314 = arith.addf %add3A_307, %get3A_313 : vector<16xf32>
        %add3A_315 = arith.constant 3 : i32
        %add3A_316 = arith.addi %mul3A_66, %add3A_315 : i32
        %get3A_317 = arith.index_cast %add3A_316 : i32 to index
        %get3A_318 = arith.constant 0 : index
        %get3A_319 = tpu.vector_load %arg10[%get3A_317, %get3A_318] {strides = array<i32>} : memref<128x64xf32, #tpu.memory_space<vmem>>, vector<1x16xf32>,
        %get3A_320 = vector.shape_cast %get3A_319 : vector<1x16xf32> to vector<16xf32>
        %add3A_321 = arith.addf %add3A_314, %get3A_320 : vector<16xf32>
        %add3A_322 = arith.constant 4 : i32
        %add3A_323 = arith.addi %mul3A_66, %add3A_322 : i32
        %get3A_324 = arith.index_cast %add3A_323 : i32 to index
        %get3A_325 = arith.constant 0 : index
        %get3A_326 = tpu.vector_load %arg10[%get3A_324, %get3A_325] {strides = array<i32>} : memref<128x64xf32, #tpu.memory_space<vmem>>, vector<1x16xf32>,
        %get3A_327 = vector.shape_cast %get3A_326 : vector<1x16xf32> to vector<16xf32>
        %add3A_328 = arith.addf %add3A_321, %get3A_327 : vector<16xf32>
        %add3A_329 = arith.constant 5 : i32
        %add3A_330 = arith.addi %mul3A_66, %add3A_329 : i32
        %get3A_331 = arith.index_cast %add3A_330 : i32 to index
        %get3A_332 = arith.constant 0 : index
        %get3A_333 = tpu.vector_load %arg10[%get3A_331, %get3A_332] {strides = array<i32>} : memref<128x64xf32, #tpu.memory_space<vmem>>, vector<1x16xf32>,
        %get3A_334 = vector.shape_cast %get3A_333 : vector<1x16xf32> to vector<16xf32>
        %add3A_335 = arith.addf %add3A_328, %get3A_334 : vector<16xf32>
        %add3A_336 = arith.constant 6 : i32
        %add3A_337 = arith.addi %mul3A_66, %add3A_336 : i32
        %get3A_338 = arith.index_cast %add3A_337 : i32 to index
        %get3A_339 = arith.constant 0 : index
        %get3A_340 = tpu.vector_load %arg10[%get3A_338, %get3A_339] {strides = array<i32>} : memref<128x64xf32, #tpu.memory_space<vmem>>, vector<1x16xf32>,
        %get3A_341 = vector.shape_cast %get3A_340 : vector<1x16xf32> to vector<16xf32>
        %add3A_342 = arith.addf %add3A_335, %get3A_341 : vector<16xf32>
        %add3A_343 = arith.constant 7 : i32
        %add3A_344 = arith.addi %mul3A_66, %add3A_343 : i32
        %get3A_345 = arith.index_cast %add3A_344 : i32 to index
        %get3A_346 = arith.constant 0 : index
        %get3A_347 = tpu.vector_load %arg10[%get3A_345, %get3A_346] {strides = array<i32>} : memref<128x64xf32, #tpu.memory_space<vmem>>, vector<1x16xf32>,
        %get3A_348 = vector.shape_cast %get3A_347 : vector<1x16xf32> to vector<16xf32>
        %add3A_349 = arith.addf %add3A_342, %get3A_348 : vector<16xf32>
        %swap3A_350 = arith.index_cast %scan3A_64 : i32 to index
        %swap3A_351 = arith.constant 64 : index
        %swap3A_352 = tpu.vector_load %arg13[%swap3A_350, %swap3A_351] {strides = array<i32>} : memref<16x256xf32, #tpu.memory_space<vmem>>, vector<1x16xf32>,
        %swap3A_353 = vector.shape_cast %swap3A_352 : vector<1x16xf32> to vector<16xf32>
        %swap3A_354 = vector.shape_cast %add3A_349 : vector<16xf32> to vector<1x16xf32>
        tpu.vector_store %arg13[%swap3A_350, %swap3A_351], %swap3A_354 {strides = array<i32>} : memref<16x256xf32, #tpu.memory_space<vmem>>, vector<1x16xf32>,
        %get3A_355 = arith.index_cast %mul3A_66 : i32 to index
        %get3A_356 = arith.constant 16 : index
        %get3A_357 = tpu.vector_load %arg10[%get3A_355, %get3A_356] {strides = array<i32>} : memref<128x64xf32, #tpu.memory_space<vmem>>, vector<1x16xf32>,
        %get3A_358 = vector.shape_cast %get3A_357 : vector<1x16xf32> to vector<16xf32>
        %add3A_359 = arith.constant 1 : i32
        %add3A_360 = arith.addi %mul3A_66, %add3A_359 : i32
        %get3A_361 = arith.index_cast %add3A_360 : i32 to index
        %get3A_362 = arith.constant 16 : index
        %get3A_363 = tpu.vector_load %arg10[%get3A_361, %get3A_362] {strides = array<i32>} : memref<128x64xf32, #tpu.memory_space<vmem>>, vector<1x16xf32>,
        %get3A_364 = vector.shape_cast %get3A_363 : vector<1x16xf32> to vector<16xf32>
        %add3A_365 = arith.addf %get3A_358, %get3A_364 : vector<16xf32>
        %add3A_366 = arith.constant 2 : i32
        %add3A_367 = arith.addi %mul3A_66, %add3A_366 : i32
        %get3A_368 = arith.index_cast %add3A_367 : i32 to index
        %get3A_369 = arith.constant 16 : index
        %get3A_370 = tpu.vector_load %arg10[%get3A_368, %get3A_369] {strides = array<i32>} : memref<128x64xf32, #tpu.memory_space<vmem>>, vector<1x16xf32>,
        %get3A_371 = vector.shape_cast %get3A_370 : vector<1x16xf32> to vector<16xf32>
        %add3A_372 = arith.addf %add3A_365, %get3A_371 : vector<16xf32>
        %add3A_373 = arith.constant 3 : i32
        %add3A_374 = arith.addi %mul3A_66, %add3A_373 : i32
        %get3A_375 = arith.index_cast %add3A_374 : i32 to index
        %get3A_376 = arith.constant 16 : index
        %get3A_377 = tpu.vector_load %arg10[%get3A_375, %get3A_376] {strides = array<i32>} : memref<128x64xf32, #tpu.memory_space<vmem>>, vector<1x16xf32>,
        %get3A_378 = vector.shape_cast %get3A_377 : vector<1x16xf32> to vector<16xf32>
        %add3A_379 = arith.addf %add3A_372, %get3A_378 : vector<16xf32>
        %add3A_380 = arith.constant 4 : i32
        %add3A_381 = arith.addi %mul3A_66, %add3A_380 : i32
        %get3A_382 = arith.index_cast %add3A_381 : i32 to index
        %get3A_383 = arith.constant 16 : index
        %get3A_384 = tpu.vector_load %arg10[%get3A_382, %get3A_383] {strides = array<i32>} : memref<128x64xf32, #tpu.memory_space<vmem>>, vector<1x16xf32>,
        %get3A_385 = vector.shape_cast %get3A_384 : vector<1x16xf32> to vector<16xf32>
        %add3A_386 = arith.addf %add3A_379, %get3A_385 : vector<16xf32>
        %add3A_387 = arith.constant 5 : i32
        %add3A_388 = arith.addi %mul3A_66, %add3A_387 : i32
        %get3A_389 = arith.index_cast %add3A_388 : i32 to index
        %get3A_390 = arith.constant 16 : index
        %get3A_391 = tpu.vector_load %arg10[%get3A_389, %get3A_390] {strides = array<i32>} : memref<128x64xf32, #tpu.memory_space<vmem>>, vector<1x16xf32>,
        %get3A_392 = vector.shape_cast %get3A_391 : vector<1x16xf32> to vector<16xf32>
        %add3A_393 = arith.addf %add3A_386, %get3A_392 : vector<16xf32>
        %add3A_394 = arith.constant 6 : i32
        %add3A_395 = arith.addi %mul3A_66, %add3A_394 : i32
        %get3A_396 = arith.index_cast %add3A_395 : i32 to index
        %get3A_397 = arith.constant 16 : index
        %get3A_398 = tpu.vector_load %arg10[%get3A_396, %get3A_397] {strides = array<i32>} : memref<128x64xf32, #tpu.memory_space<vmem>>, vector<1x16xf32>,
        %get3A_399 = vector.shape_cast %get3A_398 : vector<1x16xf32> to vector<16xf32>
        %add3A_400 = arith.addf %add3A_393, %get3A_399 : vector<16xf32>
        %add3A_401 = arith.constant 7 : i32
        %add3A_402 = arith.addi %mul3A_66, %add3A_401 : i32
        %get3A_403 = arith.index_cast %add3A_402 : i32 to index
        %get3A_404 = arith.constant 16 : index
        %get3A_405 = tpu.vector_load %arg10[%get3A_403, %get3A_404] {strides = array<i32>} : memref<128x64xf32, #tpu.memory_space<vmem>>, vector<1x16xf32>,
        %get3A_406 = vector.shape_cast %get3A_405 : vector<1x16xf32> to vector<16xf32>
        %add3A_407 = arith.addf %add3A_400, %get3A_406 : vector<16xf32>
        %swap3A_408 = arith.index_cast %scan3A_64 : i32 to index
        %swap3A_409 = arith.constant 80 : index
        %swap3A_410 = tpu.vector_load %arg13[%swap3A_408, %swap3A_409] {strides = array<i32>} : memref<16x256xf32, #tpu.memory_space<vmem>>, vector<1x16xf32>,
        %swap3A_411 = vector.shape_cast %swap3A_410 : vector<1x16xf32> to vector<16xf32>
        %swap3A_412 = vector.shape_cast %add3A_407 : vector<16xf32> to vector<1x16xf32>
        tpu.vector_store %arg13[%swap3A_408, %swap3A_409], %swap3A_412 {strides = array<i32>} : memref<16x256xf32, #tpu.memory_space<vmem>>, vector<1x16xf32>,
        %get3A_413 = arith.index_cast %mul3A_66 : i32 to index
        %get3A_414 = arith.constant 32 : index
        %get3A_415 = tpu.vector_load %arg10[%get3A_413, %get3A_414] {strides = array<i32>} : memref<128x64xf32, #tpu.memory_space<vmem>>, vector<1x16xf32>,
        %get3A_416 = vector.shape_cast %get3A_415 : vector<1x16xf32> to vector<16xf32>
        %add3A_417 = arith.constant 1 : i32
        %add3A_418 = arith.addi %mul3A_66, %add3A_417 : i32
        %get3A_419 = arith.index_cast %add3A_418 : i32 to index
        %get3A_420 = arith.constant 32 : index
        %get3A_421 = tpu.vector_load %arg10[%get3A_419, %get3A_420] {strides = array<i32>} : memref<128x64xf32, #tpu.memory_space<vmem>>, vector<1x16xf32>,
        %get3A_422 = vector.shape_cast %get3A_421 : vector<1x16xf32> to vector<16xf32>
        %add3A_423 = arith.addf %get3A_416, %get3A_422 : vector<16xf32>
        %add3A_424 = arith.constant 2 : i32
        %add3A_425 = arith.addi %mul3A_66, %add3A_424 : i32
        %get3A_426 = arith.index_cast %add3A_425 : i32 to index
        %get3A_427 = arith.constant 32 : index
        %get3A_428 = tpu.vector_load %arg10[%get3A_426, %get3A_427] {strides = array<i32>} : memref<128x64xf32, #tpu.memory_space<vmem>>, vector<1x16xf32>,
        %get3A_429 = vector.shape_cast %get3A_428 : vector<1x16xf32> to vector<16xf32>
        %add3A_430 = arith.addf %add3A_423, %get3A_429 : vector<16xf32>
        %add3A_431 = arith.constant 3 : i32
        %add3A_432 = arith.addi %mul3A_66, %add3A_431 : i32
        %get3A_433 = arith.index_cast %add3A_432 : i32 to index
        %get3A_434 = arith.constant 32 : index
        %get3A_435 = tpu.vector_load %arg10[%get3A_433, %get3A_434] {strides = array<i32>} : memref<128x64xf32, #tpu.memory_space<vmem>>, vector<1x16xf32>,
        %get3A_436 = vector.shape_cast %get3A_435 : vector<1x16xf32> to vector<16xf32>
        %add3A_437 = arith.addf %add3A_430, %get3A_436 : vector<16xf32>
        %add3A_438 = arith.constant 4 : i32
        %add3A_439 = arith.addi %mul3A_66, %add3A_438 : i32
        %get3A_440 = arith.index_cast %add3A_439 : i32 to index
        %get3A_441 = arith.constant 32 : index
        %get3A_442 = tpu.vector_load %arg10[%get3A_440, %get3A_441] {strides = array<i32>} : memref<128x64xf32, #tpu.memory_space<vmem>>, vector<1x16xf32>,
        %get3A_443 = vector.shape_cast %get3A_442 : vector<1x16xf32> to vector<16xf32>
        %add3A_444 = arith.addf %add3A_437, %get3A_443 : vector<16xf32>
        %add3A_445 = arith.constant 5 : i32
        %add3A_446 = arith.addi %mul3A_66, %add3A_445 : i32
        %get3A_447 = arith.index_cast %add3A_446 : i32 to index
        %get3A_448 = arith.constant 32 : index
        %get3A_449 = tpu.vector_load %arg10[%get3A_447, %get3A_448] {strides = array<i32>} : memref<128x64xf32, #tpu.memory_space<vmem>>, vector<1x16xf32>,
        %get3A_450 = vector.shape_cast %get3A_449 : vector<1x16xf32> to vector<16xf32>
        %add3A_451 = arith.addf %add3A_444, %get3A_450 : vector<16xf32>
        %add3A_452 = arith.constant 6 : i32
        %add3A_453 = arith.addi %mul3A_66, %add3A_452 : i32
        %get3A_454 = arith.index_cast %add3A_453 : i32 to index
        %get3A_455 = arith.constant 32 : index
        %get3A_456 = tpu.vector_load %arg10[%get3A_454, %get3A_455] {strides = array<i32>} : memref<128x64xf32, #tpu.memory_space<vmem>>, vector<1x16xf32>,
        %get3A_457 = vector.shape_cast %get3A_456 : vector<1x16xf32> to vector<16xf32>
        %add3A_458 = arith.addf %add3A_451, %get3A_457 : vector<16xf32>
        %add3A_459 = arith.constant 7 : i32
        %add3A_460 = arith.addi %mul3A_66, %add3A_459 : i32
        %get3A_461 = arith.index_cast %add3A_460 : i32 to index
        %get3A_462 = arith.constant 32 : index
        %get3A_463 = tpu.vector_load %arg10[%get3A_461, %get3A_462] {strides = array<i32>} : memref<128x64xf32, #tpu.memory_space<vmem>>, vector<1x16xf32>,
        %get3A_464 = vector.shape_cast %get3A_463 : vector<1x16xf32> to vector<16xf32>
        %add3A_465 = arith.addf %add3A_458, %get3A_464 : vector<16xf32>
        %swap3A_466 = arith.index_cast %scan3A_64 : i32 to index
        %swap3A_467 = arith.constant 96 : index
        %swap3A_468 = tpu.vector_load %arg13[%swap3A_466, %swap3A_467] {strides = array<i32>} : memref<16x256xf32, #tpu.memory_space<vmem>>, vector<1x16xf32>,
        %swap3A_469 = vector.shape_cast %swap3A_468 : vector<1x16xf32> to vector<16xf32>
        %swap3A_470 = vector.shape_cast %add3A_465 : vector<16xf32> to vector<1x16xf32>
        tpu.vector_store %arg13[%swap3A_466, %swap3A_467], %swap3A_470 {strides = array<i32>} : memref<16x256xf32, #tpu.memory_space<vmem>>, vector<1x16xf32>,
        %get3A_471 = arith.index_cast %mul3A_66 : i32 to index
        %get3A_472 = arith.constant 48 : index
        %get3A_473 = tpu.vector_load %arg10[%get3A_471, %get3A_472] {strides = array<i32>} : memref<128x64xf32, #tpu.memory_space<vmem>>, vector<1x16xf32>,
        %get3A_474 = vector.shape_cast %get3A_473 : vector<1x16xf32> to vector<16xf32>
        %add3A_475 = arith.constant 1 : i32
        %add3A_476 = arith.addi %mul3A_66, %add3A_475 : i32
        %get3A_477 = arith.index_cast %add3A_476 : i32 to index
        %get3A_478 = arith.constant 48 : index
        %get3A_479 = tpu.vector_load %arg10[%get3A_477, %get3A_478] {strides = array<i32>} : memref<128x64xf32, #tpu.memory_space<vmem>>, vector<1x16xf32>,
        %get3A_480 = vector.shape_cast %get3A_479 : vector<1x16xf32> to vector<16xf32>
        %add3A_481 = arith.addf %get3A_474, %get3A_480 : vector<16xf32>
        %add3A_482 = arith.constant 2 : i32
        %add3A_483 = arith.addi %mul3A_66, %add3A_482 : i32
        %get3A_484 = arith.index_cast %add3A_483 : i32 to index
        %get3A_485 = arith.constant 48 : index
        %get3A_486 = tpu.vector_load %arg10[%get3A_484, %get3A_485] {strides = array<i32>} : memref<128x64xf32, #tpu.memory_space<vmem>>, vector<1x16xf32>,
        %get3A_487 = vector.shape_cast %get3A_486 : vector<1x16xf32> to vector<16xf32>
        %add3A_488 = arith.addf %add3A_481, %get3A_487 : vector<16xf32>
        %add3A_489 = arith.constant 3 : i32
        %add3A_490 = arith.addi %mul3A_66, %add3A_489 : i32
        %get3A_491 = arith.index_cast %add3A_490 : i32 to index
        %get3A_492 = arith.constant 48 : index
        %get3A_493 = tpu.vector_load %arg10[%get3A_491, %get3A_492] {strides = array<i32>} : memref<128x64xf32, #tpu.memory_space<vmem>>, vector<1x16xf32>,
        %get3A_494 = vector.shape_cast %get3A_493 : vector<1x16xf32> to vector<16xf32>
        %add3A_495 = arith.addf %add3A_488, %get3A_494 : vector<16xf32>
        %add3A_496 = arith.constant 4 : i32
        %add3A_497 = arith.addi %mul3A_66, %add3A_496 : i32
        %get3A_498 = arith.index_cast %add3A_497 : i32 to index
        %get3A_499 = arith.constant 48 : index
        %get3A_500 = tpu.vector_load %arg10[%get3A_498, %get3A_499] {strides = array<i32>} : memref<128x64xf32, #tpu.memory_space<vmem>>, vector<1x16xf32>,
        %get3A_501 = vector.shape_cast %get3A_500 : vector<1x16xf32> to vector<16xf32>
        %add3A_502 = arith.addf %add3A_495, %get3A_501 : vector<16xf32>
        %add3A_503 = arith.constant 5 : i32
        %add3A_504 = arith.addi %mul3A_66, %add3A_503 : i32
        %get3A_505 = arith.index_cast %add3A_504 : i32 to index
        %get3A_506 = arith.constant 48 : index
        %get3A_507 = tpu.vector_load %arg10[%get3A_505, %get3A_506] {strides = array<i32>} : memref<128x64xf32, #tpu.memory_space<vmem>>, vector<1x16xf32>,
        %get3A_508 = vector.shape_cast %get3A_507 : vector<1x16xf32> to vector<16xf32>
        %add3A_509 = arith.addf %add3A_502, %get3A_508 : vector<16xf32>
        %add3A_510 = arith.constant 6 : i32
        %add3A_511 = arith.addi %mul3A_66, %add3A_510 : i32
        %get3A_512 = arith.index_cast %add3A_511 : i32 to index
        %get3A_513 = arith.constant 48 : index
        %get3A_514 = tpu.vector_load %arg10[%get3A_512, %get3A_513] {strides = array<i32>} : memref<128x64xf32, #tpu.memory_space<vmem>>, vector<1x16xf32>,
        %get3A_515 = vector.shape_cast %get3A_514 : vector<1x16xf32> to vector<16xf32>
        %add3A_516 = arith.addf %add3A_509, %get3A_515 : vector<16xf32>
        %add3A_517 = arith.constant 7 : i32
        %add3A_518 = arith.addi %mul3A_66, %add3A_517 : i32
        %get3A_519 = arith.index_cast %add3A_518 : i32 to index
        %get3A_520 = arith.constant 48 : index
        %get3A_521 = tpu.vector_load %arg10[%get3A_519, %get3A_520] {strides = array<i32>} : memref<128x64xf32, #tpu.memory_space<vmem>>, vector<1x16xf32>,
        %get3A_522 = vector.shape_cast %get3A_521 : vector<1x16xf32> to vector<16xf32>
        %add3A_523 = arith.addf %add3A_516, %get3A_522 : vector<16xf32>
        %swap3A_524 = arith.index_cast %scan3A_64 : i32 to index
        %swap3A_525 = arith.constant 112 : index
        %swap3A_526 = tpu.vector_load %arg13[%swap3A_524, %swap3A_525] {strides = array<i32>} : memref<16x256xf32, #tpu.memory_space<vmem>>, vector<1x16xf32>,
        %swap3A_527 = vector.shape_cast %swap3A_526 : vector<1x16xf32> to vector<16xf32>
        %swap3A_528 = vector.shape_cast %add3A_523 : vector<16xf32> to vector<1x16xf32>
        tpu.vector_store %arg13[%swap3A_524, %swap3A_525], %swap3A_528 {strides = array<i32>} : memref<16x256xf32, #tpu.memory_space<vmem>>, vector<1x16xf32>,
        %get3A_529 = arith.index_cast %mul3A_66 : i32 to index
        %get3A_530 = arith.constant 0 : index
        %get3A_531 = tpu.vector_load %arg11[%get3A_529, %get3A_530] {strides = array<i32>} : memref<128x64xf32, #tpu.memory_space<vmem>>, vector<1x16xf32>,
        %get3A_532 = vector.shape_cast %get3A_531 : vector<1x16xf32> to vector<16xf32>
        %add3A_533 = arith.constant 1 : i32
        %add3A_534 = arith.addi %mul3A_66, %add3A_533 : i32
        %get3A_535 = arith.index_cast %add3A_534 : i32 to index
        %get3A_536 = arith.constant 0 : index
        %get3A_537 = tpu.vector_load %arg11[%get3A_535, %get3A_536] {strides = array<i32>} : memref<128x64xf32, #tpu.memory_space<vmem>>, vector<1x16xf32>,
        %get3A_538 = vector.shape_cast %get3A_537 : vector<1x16xf32> to vector<16xf32>
        %add3A_539 = arith.addf %get3A_532, %get3A_538 : vector<16xf32>
        %add3A_540 = arith.constant 2 : i32
        %add3A_541 = arith.addi %mul3A_66, %add3A_540 : i32
        %get3A_542 = arith.index_cast %add3A_541 : i32 to index
        %get3A_543 = arith.constant 0 : index
        %get3A_544 = tpu.vector_load %arg11[%get3A_542, %get3A_543] {strides = array<i32>} : memref<128x64xf32, #tpu.memory_space<vmem>>, vector<1x16xf32>,
        %get3A_545 = vector.shape_cast %get3A_544 : vector<1x16xf32> to vector<16xf32>
        %add3A_546 = arith.addf %add3A_539, %get3A_545 : vector<16xf32>
        %add3A_547 = arith.constant 3 : i32
        %add3A_548 = arith.addi %mul3A_66, %add3A_547 : i32
        %get3A_549 = arith.index_cast %add3A_548 : i32 to index
        %get3A_550 = arith.constant 0 : index
        %get3A_551 = tpu.vector_load %arg11[%get3A_549, %get3A_550] {strides = array<i32>} : memref<128x64xf32, #tpu.memory_space<vmem>>, vector<1x16xf32>,
        %get3A_552 = vector.shape_cast %get3A_551 : vector<1x16xf32> to vector<16xf32>
        %add3A_553 = arith.addf %add3A_546, %get3A_552 : vector<16xf32>
        %add3A_554 = arith.constant 4 : i32
        %add3A_555 = arith.addi %mul3A_66, %add3A_554 : i32
        %get3A_556 = arith.index_cast %add3A_555 : i32 to index
        %get3A_557 = arith.constant 0 : index
        %get3A_558 = tpu.vector_load %arg11[%get3A_556, %get3A_557] {strides = array<i32>} : memref<128x64xf32, #tpu.memory_space<vmem>>, vector<1x16xf32>,
        %get3A_559 = vector.shape_cast %get3A_558 : vector<1x16xf32> to vector<16xf32>
        %add3A_560 = arith.addf %add3A_553, %get3A_559 : vector<16xf32>
        %add3A_561 = arith.constant 5 : i32
        %add3A_562 = arith.addi %mul3A_66, %add3A_561 : i32
        %get3A_563 = arith.index_cast %add3A_562 : i32 to index
        %get3A_564 = arith.constant 0 : index
        %get3A_565 = tpu.vector_load %arg11[%get3A_563, %get3A_564] {strides = array<i32>} : memref<128x64xf32, #tpu.memory_space<vmem>>, vector<1x16xf32>,
        %get3A_566 = vector.shape_cast %get3A_565 : vector<1x16xf32> to vector<16xf32>
        %add3A_567 = arith.addf %add3A_560, %get3A_566 : vector<16xf32>
        %add3A_568 = arith.constant 6 : i32
        %add3A_569 = arith.addi %mul3A_66, %add3A_568 : i32
        %get3A_570 = arith.index_cast %add3A_569 : i32 to index
        %get3A_571 = arith.constant 0 : index
        %get3A_572 = tpu.vector_load %arg11[%get3A_570, %get3A_571] {strides = array<i32>} : memref<128x64xf32, #tpu.memory_space<vmem>>, vector<1x16xf32>,
        %get3A_573 = vector.shape_cast %get3A_572 : vector<1x16xf32> to vector<16xf32>
        %add3A_574 = arith.addf %add3A_567, %get3A_573 : vector<16xf32>
        %add3A_575 = arith.constant 7 : i32
        %add3A_576 = arith.addi %mul3A_66, %add3A_575 : i32
        %get3A_577 = arith.index_cast %add3A_576 : i32 to index
        %get3A_578 = arith.constant 0 : index
        %get3A_579 = tpu.vector_load %arg11[%get3A_577, %get3A_578] {strides = array<i32>} : memref<128x64xf32, #tpu.memory_space<vmem>>, vector<1x16xf32>,
        %get3A_580 = vector.shape_cast %get3A_579 : vector<1x16xf32> to vector<16xf32>
        %add3A_581 = arith.addf %add3A_574, %get3A_580 : vector<16xf32>
        %swap3A_582 = arith.index_cast %scan3A_64 : i32 to index
        %swap3A_583 = arith.constant 128 : index
        %swap3A_584 = tpu.vector_load %arg13[%swap3A_582, %swap3A_583] {strides = array<i32>} : memref<16x256xf32, #tpu.memory_space<vmem>>, vector<1x16xf32>,
        %swap3A_585 = vector.shape_cast %swap3A_584 : vector<1x16xf32> to vector<16xf32>
        %swap3A_586 = vector.shape_cast %add3A_581 : vector<16xf32> to vector<1x16xf32>
        tpu.vector_store %arg13[%swap3A_582, %swap3A_583], %swap3A_586 {strides = array<i32>} : memref<16x256xf32, #tpu.memory_space<vmem>>, vector<1x16xf32>,
        %get3A_587 = arith.index_cast %mul3A_66 : i32 to index
        %get3A_588 = arith.constant 16 : index
        %get3A_589 = tpu.vector_load %arg11[%get3A_587, %get3A_588] {strides = array<i32>} : memref<128x64xf32, #tpu.memory_space<vmem>>, vector<1x16xf32>,
        %get3A_590 = vector.shape_cast %get3A_589 : vector<1x16xf32> to vector<16xf32>
        %add3A_591 = arith.constant 1 : i32
        %add3A_592 = arith.addi %mul3A_66, %add3A_591 : i32
        %get3A_593 = arith.index_cast %add3A_592 : i32 to index
        %get3A_594 = arith.constant 16 : index
        %get3A_595 = tpu.vector_load %arg11[%get3A_593, %get3A_594] {strides = array<i32>} : memref<128x64xf32, #tpu.memory_space<vmem>>, vector<1x16xf32>,
        %get3A_596 = vector.shape_cast %get3A_595 : vector<1x16xf32> to vector<16xf32>
        %add3A_597 = arith.addf %get3A_590, %get3A_596 : vector<16xf32>
        %add3A_598 = arith.constant 2 : i32
        %add3A_599 = arith.addi %mul3A_66, %add3A_598 : i32
        %get3A_600 = arith.index_cast %add3A_599 : i32 to index
        %get3A_601 = arith.constant 16 : index
        %get3A_602 = tpu.vector_load %arg11[%get3A_600, %get3A_601] {strides = array<i32>} : memref<128x64xf32, #tpu.memory_space<vmem>>, vector<1x16xf32>,
        %get3A_603 = vector.shape_cast %get3A_602 : vector<1x16xf32> to vector<16xf32>
        %add3A_604 = arith.addf %add3A_597, %get3A_603 : vector<16xf32>
        %add3A_605 = arith.constant 3 : i32
        %add3A_606 = arith.addi %mul3A_66, %add3A_605 : i32
        %get3A_607 = arith.index_cast %add3A_606 : i32 to index
        %get3A_608 = arith.constant 16 : index
        %get3A_609 = tpu.vector_load %arg11[%get3A_607, %get3A_608] {strides = array<i32>} : memref<128x64xf32, #tpu.memory_space<vmem>>, vector<1x16xf32>,
        %get3A_610 = vector.shape_cast %get3A_609 : vector<1x16xf32> to vector<16xf32>
        %add3A_611 = arith.addf %add3A_604, %get3A_610 : vector<16xf32>
        %add3A_612 = arith.constant 4 : i32
        %add3A_613 = arith.addi %mul3A_66, %add3A_612 : i32
        %get3A_614 = arith.index_cast %add3A_613 : i32 to index
        %get3A_615 = arith.constant 16 : index
        %get3A_616 = tpu.vector_load %arg11[%get3A_614, %get3A_615] {strides = array<i32>} : memref<128x64xf32, #tpu.memory_space<vmem>>, vector<1x16xf32>,
        %get3A_617 = vector.shape_cast %get3A_616 : vector<1x16xf32> to vector<16xf32>
        %add3A_618 = arith.addf %add3A_611, %get3A_617 : vector<16xf32>
        %add3A_619 = arith.constant 5 : i32
        %add3A_620 = arith.addi %mul3A_66, %add3A_619 : i32
        %get3A_621 = arith.index_cast %add3A_620 : i32 to index
        %get3A_622 = arith.constant 16 : index
        %get3A_623 = tpu.vector_load %arg11[%get3A_621, %get3A_622] {strides = array<i32>} : memref<128x64xf32, #tpu.memory_space<vmem>>, vector<1x16xf32>,
        %get3A_624 = vector.shape_cast %get3A_623 : vector<1x16xf32> to vector<16xf32>
        %add3A_625 = arith.addf %add3A_618, %get3A_624 : vector<16xf32>
        %add3A_626 = arith.constant 6 : i32
        %add3A_627 = arith.addi %mul3A_66, %add3A_626 : i32
        %get3A_628 = arith.index_cast %add3A_627 : i32 to index
        %get3A_629 = arith.constant 16 : index
        %get3A_630 = tpu.vector_load %arg11[%get3A_628, %get3A_629] {strides = array<i32>} : memref<128x64xf32, #tpu.memory_space<vmem>>, vector<1x16xf32>,
        %get3A_631 = vector.shape_cast %get3A_630 : vector<1x16xf32> to vector<16xf32>
        %add3A_632 = arith.addf %add3A_625, %get3A_631 : vector<16xf32>
        %add3A_633 = arith.constant 7 : i32
        %add3A_634 = arith.addi %mul3A_66, %add3A_633 : i32
        %get3A_635 = arith.index_cast %add3A_634 : i32 to index
        %get3A_636 = arith.constant 16 : index
        %get3A_637 = tpu.vector_load %arg11[%get3A_635, %get3A_636] {strides = array<i32>} : memref<128x64xf32, #tpu.memory_space<vmem>>, vector<1x16xf32>,
        %get3A_638 = vector.shape_cast %get3A_637 : vector<1x16xf32> to vector<16xf32>
        %add3A_639 = arith.addf %add3A_632, %get3A_638 : vector<16xf32>
        %swap3A_640 = arith.index_cast %scan3A_64 : i32 to index
        %swap3A_641 = arith.constant 144 : index
        %swap3A_642 = tpu.vector_load %arg13[%swap3A_640, %swap3A_641] {strides = array<i32>} : memref<16x256xf32, #tpu.memory_space<vmem>>, vector<1x16xf32>,
        %swap3A_643 = vector.shape_cast %swap3A_642 : vector<1x16xf32> to vector<16xf32>
        %swap3A_644 = vector.shape_cast %add3A_639 : vector<16xf32> to vector<1x16xf32>
        tpu.vector_store %arg13[%swap3A_640, %swap3A_641], %swap3A_644 {strides = array<i32>} : memref<16x256xf32, #tpu.memory_space<vmem>>, vector<1x16xf32>,
        %get3A_645 = arith.index_cast %mul3A_66 : i32 to index
        %get3A_646 = arith.constant 32 : index
        %get3A_647 = tpu.vector_load %arg11[%get3A_645, %get3A_646] {strides = array<i32>} : memref<128x64xf32, #tpu.memory_space<vmem>>, vector<1x16xf32>,
        %get3A_648 = vector.shape_cast %get3A_647 : vector<1x16xf32> to vector<16xf32>
        %add3A_649 = arith.constant 1 : i32
        %add3A_650 = arith.addi %mul3A_66, %add3A_649 : i32
        %get3A_651 = arith.index_cast %add3A_650 : i32 to index
        %get3A_652 = arith.constant 32 : index
        %get3A_653 = tpu.vector_load %arg11[%get3A_651, %get3A_652] {strides = array<i32>} : memref<128x64xf32, #tpu.memory_space<vmem>>, vector<1x16xf32>,
        %get3A_654 = vector.shape_cast %get3A_653 : vector<1x16xf32> to vector<16xf32>
        %add3A_655 = arith.addf %get3A_648, %get3A_654 : vector<16xf32>
        %add3A_656 = arith.constant 2 : i32
        %add3A_657 = arith.addi %mul3A_66, %add3A_656 : i32
        %get3A_658 = arith.index_cast %add3A_657 : i32 to index
        %get3A_659 = arith.constant 32 : index
        %get3A_660 = tpu.vector_load %arg11[%get3A_658, %get3A_659] {strides = array<i32>} : memref<128x64xf32, #tpu.memory_space<vmem>>, vector<1x16xf32>,
        %get3A_661 = vector.shape_cast %get3A_660 : vector<1x16xf32> to vector<16xf32>
        %add3A_662 = arith.addf %add3A_655, %get3A_661 : vector<16xf32>
        %add3A_663 = arith.constant 3 : i32
        %add3A_664 = arith.addi %mul3A_66, %add3A_663 : i32
        %get3A_665 = arith.index_cast %add3A_664 : i32 to index
        %get3A_666 = arith.constant 32 : index
        %get3A_667 = tpu.vector_load %arg11[%get3A_665, %get3A_666] {strides = array<i32>} : memref<128x64xf32, #tpu.memory_space<vmem>>, vector<1x16xf32>,
        %get3A_668 = vector.shape_cast %get3A_667 : vector<1x16xf32> to vector<16xf32>
        %add3A_669 = arith.addf %add3A_662, %get3A_668 : vector<16xf32>
        %add3A_670 = arith.constant 4 : i32
        %add3A_671 = arith.addi %mul3A_66, %add3A_670 : i32
        %get3A_672 = arith.index_cast %add3A_671 : i32 to index
        %get3A_673 = arith.constant 32 : index
        %get3A_674 = tpu.vector_load %arg11[%get3A_672, %get3A_673] {strides = array<i32>} : memref<128x64xf32, #tpu.memory_space<vmem>>, vector<1x16xf32>,
        %get3A_675 = vector.shape_cast %get3A_674 : vector<1x16xf32> to vector<16xf32>
        %add3A_676 = arith.addf %add3A_669, %get3A_675 : vector<16xf32>
        %add3A_677 = arith.constant 5 : i32
        %add3A_678 = arith.addi %mul3A_66, %add3A_677 : i32
        %get3A_679 = arith.index_cast %add3A_678 : i32 to index
        %get3A_680 = arith.constant 32 : index
        %get3A_681 = tpu.vector_load %arg11[%get3A_679, %get3A_680] {strides = array<i32>} : memref<128x64xf32, #tpu.memory_space<vmem>>, vector<1x16xf32>,
        %get3A_682 = vector.shape_cast %get3A_681 : vector<1x16xf32> to vector<16xf32>
        %add3A_683 = arith.addf %add3A_676, %get3A_682 : vector<16xf32>
        %add3A_684 = arith.constant 6 : i32
        %add3A_685 = arith.addi %mul3A_66, %add3A_684 : i32
        %get3A_686 = arith.index_cast %add3A_685 : i32 to index
        %get3A_687 = arith.constant 32 : index
        %get3A_688 = tpu.vector_load %arg11[%get3A_686, %get3A_687] {strides = array<i32>} : memref<128x64xf32, #tpu.memory_space<vmem>>, vector<1x16xf32>,
        %get3A_689 = vector.shape_cast %get3A_688 : vector<1x16xf32> to vector<16xf32>
        %add3A_690 = arith.addf %add3A_683, %get3A_689 : vector<16xf32>
        %add3A_691 = arith.constant 7 : i32
        %add3A_692 = arith.addi %mul3A_66, %add3A_691 : i32
        %get3A_693 = arith.index_cast %add3A_692 : i32 to index
        %get3A_694 = arith.constant 32 : index
        %get3A_695 = tpu.vector_load %arg11[%get3A_693, %get3A_694] {strides = array<i32>} : memref<128x64xf32, #tpu.memory_space<vmem>>, vector<1x16xf32>,
        %get3A_696 = vector.shape_cast %get3A_695 : vector<1x16xf32> to vector<16xf32>
        %add3A_697 = arith.addf %add3A_690, %get3A_696 : vector<16xf32>
        %swap3A_698 = arith.index_cast %scan3A_64 : i32 to index
        %swap3A_699 = arith.constant 160 : index
        %swap3A_700 = tpu.vector_load %arg13[%swap3A_698, %swap3A_699] {strides = array<i32>} : memref<16x256xf32, #tpu.memory_space<vmem>>, vector<1x16xf32>,
        %swap3A_701 = vector.shape_cast %swap3A_700 : vector<1x16xf32> to vector<16xf32>
        %swap3A_702 = vector.shape_cast %add3A_697 : vector<16xf32> to vector<1x16xf32>
        tpu.vector_store %arg13[%swap3A_698, %swap3A_699], %swap3A_702 {strides = array<i32>} : memref<16x256xf32, #tpu.memory_space<vmem>>, vector<1x16xf32>,
        %get3A_703 = arith.index_cast %mul3A_66 : i32 to index
        %get3A_704 = arith.constant 48 : index
        %get3A_705 = tpu.vector_load %arg11[%get3A_703, %get3A_704] {strides = array<i32>} : memref<128x64xf32, #tpu.memory_space<vmem>>, vector<1x16xf32>,
        %get3A_706 = vector.shape_cast %get3A_705 : vector<1x16xf32> to vector<16xf32>
        %add3A_707 = arith.constant 1 : i32
        %add3A_708 = arith.addi %mul3A_66, %add3A_707 : i32
        %get3A_709 = arith.index_cast %add3A_708 : i32 to index
        %get3A_710 = arith.constant 48 : index
        %get3A_711 = tpu.vector_load %arg11[%get3A_709, %get3A_710] {strides = array<i32>} : memref<128x64xf32, #tpu.memory_space<vmem>>, vector<1x16xf32>,
        %get3A_712 = vector.shape_cast %get3A_711 : vector<1x16xf32> to vector<16xf32>
        %add3A_713 = arith.addf %get3A_706, %get3A_712 : vector<16xf32>
        %add3A_714 = arith.constant 2 : i32
        %add3A_715 = arith.addi %mul3A_66, %add3A_714 : i32
        %get3A_716 = arith.index_cast %add3A_715 : i32 to index
        %get3A_717 = arith.constant 48 : index
        %get3A_718 = tpu.vector_load %arg11[%get3A_716, %get3A_717] {strides = array<i32>} : memref<128x64xf32, #tpu.memory_space<vmem>>, vector<1x16xf32>,
        %get3A_719 = vector.shape_cast %get3A_718 : vector<1x16xf32> to vector<16xf32>
        %add3A_720 = arith.addf %add3A_713, %get3A_719 : vector<16xf32>
        %add3A_721 = arith.constant 3 : i32
        %add3A_722 = arith.addi %mul3A_66, %add3A_721 : i32
        %get3A_723 = arith.index_cast %add3A_722 : i32 to index
        %get3A_724 = arith.constant 48 : index
        %get3A_725 = tpu.vector_load %arg11[%get3A_723, %get3A_724] {strides = array<i32>} : memref<128x64xf32, #tpu.memory_space<vmem>>, vector<1x16xf32>,
        %get3A_726 = vector.shape_cast %get3A_725 : vector<1x16xf32> to vector<16xf32>
        %add3A_727 = arith.addf %add3A_720, %get3A_726 : vector<16xf32>
        %add3A_728 = arith.constant 4 : i32
        %add3A_729 = arith.addi %mul3A_66, %add3A_728 : i32
        %get3A_730 = arith.index_cast %add3A_729 : i32 to index
        %get3A_731 = arith.constant 48 : index
        %get3A_732 = tpu.vector_load %arg11[%get3A_730, %get3A_731] {strides = array<i32>} : memref<128x64xf32, #tpu.memory_space<vmem>>, vector<1x16xf32>,
        %get3A_733 = vector.shape_cast %get3A_732 : vector<1x16xf32> to vector<16xf32>
        %add3A_734 = arith.addf %add3A_727, %get3A_733 : vector<16xf32>
        %add3A_735 = arith.constant 5 : i32
        %add3A_736 = arith.addi %mul3A_66, %add3A_735 : i32
        %get3A_737 = arith.index_cast %add3A_736 : i32 to index
        %get3A_738 = arith.constant 48 : index
        %get3A_739 = tpu.vector_load %arg11[%get3A_737, %get3A_738] {strides = array<i32>} : memref<128x64xf32, #tpu.memory_space<vmem>>, vector<1x16xf32>,
        %get3A_740 = vector.shape_cast %get3A_739 : vector<1x16xf32> to vector<16xf32>
        %add3A_741 = arith.addf %add3A_734, %get3A_740 : vector<16xf32>
        %add3A_742 = arith.constant 6 : i32
        %add3A_743 = arith.addi %mul3A_66, %add3A_742 : i32
        %get3A_744 = arith.index_cast %add3A_743 : i32 to index
        %get3A_745 = arith.constant 48 : index
        %get3A_746 = tpu.vector_load %arg11[%get3A_744, %get3A_745] {strides = array<i32>} : memref<128x64xf32, #tpu.memory_space<vmem>>, vector<1x16xf32>,
        %get3A_747 = vector.shape_cast %get3A_746 : vector<1x16xf32> to vector<16xf32>
        %add3A_748 = arith.addf %add3A_741, %get3A_747 : vector<16xf32>
        %add3A_749 = arith.constant 7 : i32
        %add3A_750 = arith.addi %mul3A_66, %add3A_749 : i32
        %get3A_751 = arith.index_cast %add3A_750 : i32 to index
        %get3A_752 = arith.constant 48 : index
        %get3A_753 = tpu.vector_load %arg11[%get3A_751, %get3A_752] {strides = array<i32>} : memref<128x64xf32, #tpu.memory_space<vmem>>, vector<1x16xf32>,
        %get3A_754 = vector.shape_cast %get3A_753 : vector<1x16xf32> to vector<16xf32>
        %add3A_755 = arith.addf %add3A_748, %get3A_754 : vector<16xf32>
        %swap3A_756 = arith.index_cast %scan3A_64 : i32 to index
        %swap3A_757 = arith.constant 176 : index
        %swap3A_758 = tpu.vector_load %arg13[%swap3A_756, %swap3A_757] {strides = array<i32>} : memref<16x256xf32, #tpu.memory_space<vmem>>, vector<1x16xf32>,
        %swap3A_759 = vector.shape_cast %swap3A_758 : vector<1x16xf32> to vector<16xf32>
        %swap3A_760 = vector.shape_cast %add3A_755 : vector<16xf32> to vector<1x16xf32>
        tpu.vector_store %arg13[%swap3A_756, %swap3A_757], %swap3A_760 {strides = array<i32>} : memref<16x256xf32, #tpu.memory_space<vmem>>, vector<1x16xf32>,
        %get3A_761 = arith.index_cast %mul3A_66 : i32 to index
        %get3A_762 = arith.constant 0 : index
        %get3A_763 = tpu.vector_load %arg12[%get3A_761, %get3A_762] {strides = array<i32>} : memref<128x64xf32, #tpu.memory_space<vmem>>, vector<1x16xf32>,
        %get3A_764 = vector.shape_cast %get3A_763 : vector<1x16xf32> to vector<16xf32>
        %add3A_765 = arith.constant 1 : i32
        %add3A_766 = arith.addi %mul3A_66, %add3A_765 : i32
        %get3A_767 = arith.index_cast %add3A_766 : i32 to index
        %get3A_768 = arith.constant 0 : index
        %get3A_769 = tpu.vector_load %arg12[%get3A_767, %get3A_768] {strides = array<i32>} : memref<128x64xf32, #tpu.memory_space<vmem>>, vector<1x16xf32>,
        %get3A_770 = vector.shape_cast %get3A_769 : vector<1x16xf32> to vector<16xf32>
        %add3A_771 = arith.addf %get3A_764, %get3A_770 : vector<16xf32>
        %add3A_772 = arith.constant 2 : i32
        %add3A_773 = arith.addi %mul3A_66, %add3A_772 : i32
        %get3A_774 = arith.index_cast %add3A_773 : i32 to index
        %get3A_775 = arith.constant 0 : index
        %get3A_776 = tpu.vector_load %arg12[%get3A_774, %get3A_775] {strides = array<i32>} : memref<128x64xf32, #tpu.memory_space<vmem>>, vector<1x16xf32>,
        %get3A_777 = vector.shape_cast %get3A_776 : vector<1x16xf32> to vector<16xf32>
        %add3A_778 = arith.addf %add3A_771, %get3A_777 : vector<16xf32>
        %add3A_779 = arith.constant 3 : i32
        %add3A_780 = arith.addi %mul3A_66, %add3A_779 : i32
        %get3A_781 = arith.index_cast %add3A_780 : i32 to index
        %get3A_782 = arith.constant 0 : index
        %get3A_783 = tpu.vector_load %arg12[%get3A_781, %get3A_782] {strides = array<i32>} : memref<128x64xf32, #tpu.memory_space<vmem>>, vector<1x16xf32>,
        %get3A_784 = vector.shape_cast %get3A_783 : vector<1x16xf32> to vector<16xf32>
        %add3A_785 = arith.addf %add3A_778, %get3A_784 : vector<16xf32>
        %add3A_786 = arith.constant 4 : i32
        %add3A_787 = arith.addi %mul3A_66, %add3A_786 : i32
        %get3A_788 = arith.index_cast %add3A_787 : i32 to index
        %get3A_789 = arith.constant 0 : index
        %get3A_790 = tpu.vector_load %arg12[%get3A_788, %get3A_789] {strides = array<i32>} : memref<128x64xf32, #tpu.memory_space<vmem>>, vector<1x16xf32>,
        %get3A_791 = vector.shape_cast %get3A_790 : vector<1x16xf32> to vector<16xf32>
        %add3A_792 = arith.addf %add3A_785, %get3A_791 : vector<16xf32>
        %add3A_793 = arith.constant 5 : i32
        %add3A_794 = arith.addi %mul3A_66, %add3A_793 : i32
        %get3A_795 = arith.index_cast %add3A_794 : i32 to index
        %get3A_796 = arith.constant 0 : index
        %get3A_797 = tpu.vector_load %arg12[%get3A_795, %get3A_796] {strides = array<i32>} : memref<128x64xf32, #tpu.memory_space<vmem>>, vector<1x16xf32>,
        %get3A_798 = vector.shape_cast %get3A_797 : vector<1x16xf32> to vector<16xf32>
        %add3A_799 = arith.addf %add3A_792, %get3A_798 : vector<16xf32>
        %add3A_800 = arith.constant 6 : i32
        %add3A_801 = arith.addi %mul3A_66, %add3A_800 : i32
        %get3A_802 = arith.index_cast %add3A_801 : i32 to index
        %get3A_803 = arith.constant 0 : index
        %get3A_804 = tpu.vector_load %arg12[%get3A_802, %get3A_803] {strides = array<i32>} : memref<128x64xf32, #tpu.memory_space<vmem>>, vector<1x16xf32>,
        %get3A_805 = vector.shape_cast %get3A_804 : vector<1x16xf32> to vector<16xf32>
        %add3A_806 = arith.addf %add3A_799, %get3A_805 : vector<16xf32>
        %add3A_807 = arith.constant 7 : i32
        %add3A_808 = arith.addi %mul3A_66, %add3A_807 : i32
        %get3A_809 = arith.index_cast %add3A_808 : i32 to index
        %get3A_810 = arith.constant 0 : index
        %get3A_811 = tpu.vector_load %arg12[%get3A_809, %get3A_810] {strides = array<i32>} : memref<128x64xf32, #tpu.memory_space<vmem>>, vector<1x16xf32>,
        %get3A_812 = vector.shape_cast %get3A_811 : vector<1x16xf32> to vector<16xf32>
        %add3A_813 = arith.addf %add3A_806, %get3A_812 : vector<16xf32>
        %swap3A_814 = arith.index_cast %scan3A_64 : i32 to index
        %swap3A_815 = arith.constant 192 : index
        %swap3A_816 = tpu.vector_load %arg13[%swap3A_814, %swap3A_815] {strides = array<i32>} : memref<16x256xf32, #tpu.memory_space<vmem>>, vector<1x16xf32>,
        %swap3A_817 = vector.shape_cast %swap3A_816 : vector<1x16xf32> to vector<16xf32>
        %swap3A_818 = vector.shape_cast %add3A_813 : vector<16xf32> to vector<1x16xf32>
        tpu.vector_store %arg13[%swap3A_814, %swap3A_815], %swap3A_818 {strides = array<i32>} : memref<16x256xf32, #tpu.memory_space<vmem>>, vector<1x16xf32>,
        %get3A_819 = arith.index_cast %mul3A_66 : i32 to index
        %get3A_820 = arith.constant 16 : index
        %get3A_821 = tpu.vector_load %arg12[%get3A_819, %get3A_820] {strides = array<i32>} : memref<128x64xf32, #tpu.memory_space<vmem>>, vector<1x16xf32>,
        %get3A_822 = vector.shape_cast %get3A_821 : vector<1x16xf32> to vector<16xf32>
        %add3A_823 = arith.constant 1 : i32
        %add3A_824 = arith.addi %mul3A_66, %add3A_823 : i32
        %get3A_825 = arith.index_cast %add3A_824 : i32 to index
        %get3A_826 = arith.constant 16 : index
        %get3A_827 = tpu.vector_load %arg12[%get3A_825, %get3A_826] {strides = array<i32>} : memref<128x64xf32, #tpu.memory_space<vmem>>, vector<1x16xf32>,
        %get3A_828 = vector.shape_cast %get3A_827 : vector<1x16xf32> to vector<16xf32>
        %add3A_829 = arith.addf %get3A_822, %get3A_828 : vector<16xf32>
        %add3A_830 = arith.constant 2 : i32
        %add3A_831 = arith.addi %mul3A_66, %add3A_830 : i32
        %get3A_832 = arith.index_cast %add3A_831 : i32 to index
        %get3A_833 = arith.constant 16 : index
        %get3A_834 = tpu.vector_load %arg12[%get3A_832, %get3A_833] {strides = array<i32>} : memref<128x64xf32, #tpu.memory_space<vmem>>, vector<1x16xf32>,
        %get3A_835 = vector.shape_cast %get3A_834 : vector<1x16xf32> to vector<16xf32>
        %add3A_836 = arith.addf %add3A_829, %get3A_835 : vector<16xf32>
        %add3A_837 = arith.constant 3 : i32
        %add3A_838 = arith.addi %mul3A_66, %add3A_837 : i32
        %get3A_839 = arith.index_cast %add3A_838 : i32 to index
        %get3A_840 = arith.constant 16 : index
        %get3A_841 = tpu.vector_load %arg12[%get3A_839, %get3A_840] {strides = array<i32>} : memref<128x64xf32, #tpu.memory_space<vmem>>, vector<1x16xf32>,
        %get3A_842 = vector.shape_cast %get3A_841 : vector<1x16xf32> to vector<16xf32>
        %add3A_843 = arith.addf %add3A_836, %get3A_842 : vector<16xf32>
        %add3A_844 = arith.constant 4 : i32
        %add3A_845 = arith.addi %mul3A_66, %add3A_844 : i32
        %get3A_846 = arith.index_cast %add3A_845 : i32 to index
        %get3A_847 = arith.constant 16 : index
        %get3A_848 = tpu.vector_load %arg12[%get3A_846, %get3A_847] {strides = array<i32>} : memref<128x64xf32, #tpu.memory_space<vmem>>, vector<1x16xf32>,
        %get3A_849 = vector.shape_cast %get3A_848 : vector<1x16xf32> to vector<16xf32>
        %add3A_850 = arith.addf %add3A_843, %get3A_849 : vector<16xf32>
        %add3A_851 = arith.constant 5 : i32
        %add3A_852 = arith.addi %mul3A_66, %add3A_851 : i32
        %get3A_853 = arith.index_cast %add3A_852 : i32 to index
        %get3A_854 = arith.constant 16 : index
        %get3A_855 = tpu.vector_load %arg12[%get3A_853, %get3A_854] {strides = array<i32>} : memref<128x64xf32, #tpu.memory_space<vmem>>, vector<1x16xf32>,
        %get3A_856 = vector.shape_cast %get3A_855 : vector<1x16xf32> to vector<16xf32>
        %add3A_857 = arith.addf %add3A_850, %get3A_856 : vector<16xf32>
        %add3A_858 = arith.constant 6 : i32
        %add3A_859 = arith.addi %mul3A_66, %add3A_858 : i32
        %get3A_860 = arith.index_cast %add3A_859 : i32 to index
        %get3A_861 = arith.constant 16 : index
        %get3A_862 = tpu.vector_load %arg12[%get3A_860, %get3A_861] {strides = array<i32>} : memref<128x64xf32, #tpu.memory_space<vmem>>, vector<1x16xf32>,
        %get3A_863 = vector.shape_cast %get3A_862 : vector<1x16xf32> to vector<16xf32>
        %add3A_864 = arith.addf %add3A_857, %get3A_863 : vector<16xf32>
        %add3A_865 = arith.constant 7 : i32
        %add3A_866 = arith.addi %mul3A_66, %add3A_865 : i32
        %get3A_867 = arith.index_cast %add3A_866 : i32 to index
        %get3A_868 = arith.constant 16 : index
        %get3A_869 = tpu.vector_load %arg12[%get3A_867, %get3A_868] {strides = array<i32>} : memref<128x64xf32, #tpu.memory_space<vmem>>, vector<1x16xf32>,
        %get3A_870 = vector.shape_cast %get3A_869 : vector<1x16xf32> to vector<16xf32>
        %add3A_871 = arith.addf %add3A_864, %get3A_870 : vector<16xf32>
        %swap3A_872 = arith.index_cast %scan3A_64 : i32 to index
        %swap3A_873 = arith.constant 208 : index
        %swap3A_874 = tpu.vector_load %arg13[%swap3A_872, %swap3A_873] {strides = array<i32>} : memref<16x256xf32, #tpu.memory_space<vmem>>, vector<1x16xf32>,
        %swap3A_875 = vector.shape_cast %swap3A_874 : vector<1x16xf32> to vector<16xf32>
        %swap3A_876 = vector.shape_cast %add3A_871 : vector<16xf32> to vector<1x16xf32>
        tpu.vector_store %arg13[%swap3A_872, %swap3A_873], %swap3A_876 {strides = array<i32>} : memref<16x256xf32, #tpu.memory_space<vmem>>, vector<1x16xf32>,
        %get3A_877 = arith.index_cast %mul3A_66 : i32 to index
        %get3A_878 = arith.constant 32 : index
        %get3A_879 = tpu.vector_load %arg12[%get3A_877, %get3A_878] {strides = array<i32>} : memref<128x64xf32, #tpu.memory_space<vmem>>, vector<1x16xf32>,
        %get3A_880 = vector.shape_cast %get3A_879 : vector<1x16xf32> to vector<16xf32>
        %add3A_881 = arith.constant 1 : i32
        %add3A_882 = arith.addi %mul3A_66, %add3A_881 : i32
        %get3A_883 = arith.index_cast %add3A_882 : i32 to index
        %get3A_884 = arith.constant 32 : index
        %get3A_885 = tpu.vector_load %arg12[%get3A_883, %get3A_884] {strides = array<i32>} : memref<128x64xf32, #tpu.memory_space<vmem>>, vector<1x16xf32>,
        %get3A_886 = vector.shape_cast %get3A_885 : vector<1x16xf32> to vector<16xf32>
        %add3A_887 = arith.addf %get3A_880, %get3A_886 : vector<16xf32>
        %add3A_888 = arith.constant 2 : i32
        %add3A_889 = arith.addi %mul3A_66, %add3A_888 : i32
        %get3A_890 = arith.index_cast %add3A_889 : i32 to index
        %get3A_891 = arith.constant 32 : index
        %get3A_892 = tpu.vector_load %arg12[%get3A_890, %get3A_891] {strides = array<i32>} : memref<128x64xf32, #tpu.memory_space<vmem>>, vector<1x16xf32>,
        %get3A_893 = vector.shape_cast %get3A_892 : vector<1x16xf32> to vector<16xf32>
        %add3A_894 = arith.addf %add3A_887, %get3A_893 : vector<16xf32>
        %add3A_895 = arith.constant 3 : i32
        %add3A_896 = arith.addi %mul3A_66, %add3A_895 : i32
        %get3A_897 = arith.index_cast %add3A_896 : i32 to index
        %get3A_898 = arith.constant 32 : index
        %get3A_899 = tpu.vector_load %arg12[%get3A_897, %get3A_898] {strides = array<i32>} : memref<128x64xf32, #tpu.memory_space<vmem>>, vector<1x16xf32>,
        %get3A_900 = vector.shape_cast %get3A_899 : vector<1x16xf32> to vector<16xf32>
        %add3A_901 = arith.addf %add3A_894, %get3A_900 : vector<16xf32>
        %add3A_902 = arith.constant 4 : i32
        %add3A_903 = arith.addi %mul3A_66, %add3A_902 : i32
        %get3A_904 = arith.index_cast %add3A_903 : i32 to index
        %get3A_905 = arith.constant 32 : index
        %get3A_906 = tpu.vector_load %arg12[%get3A_904, %get3A_905] {strides = array<i32>} : memref<128x64xf32, #tpu.memory_space<vmem>>, vector<1x16xf32>,
        %get3A_907 = vector.shape_cast %get3A_906 : vector<1x16xf32> to vector<16xf32>
        %add3A_908 = arith.addf %add3A_901, %get3A_907 : vector<16xf32>
        %add3A_909 = arith.constant 5 : i32
        %add3A_910 = arith.addi %mul3A_66, %add3A_909 : i32
        %get3A_911 = arith.index_cast %add3A_910 : i32 to index
        %get3A_912 = arith.constant 32 : index
        %get3A_913 = tpu.vector_load %arg12[%get3A_911, %get3A_912] {strides = array<i32>} : memref<128x64xf32, #tpu.memory_space<vmem>>, vector<1x16xf32>,
        %get3A_914 = vector.shape_cast %get3A_913 : vector<1x16xf32> to vector<16xf32>
        %add3A_915 = arith.addf %add3A_908, %get3A_914 : vector<16xf32>
        %add3A_916 = arith.constant 6 : i32
        %add3A_917 = arith.addi %mul3A_66, %add3A_916 : i32
        %get3A_918 = arith.index_cast %add3A_917 : i32 to index
        %get3A_919 = arith.constant 32 : index
        %get3A_920 = tpu.vector_load %arg12[%get3A_918, %get3A_919] {strides = array<i32>} : memref<128x64xf32, #tpu.memory_space<vmem>>, vector<1x16xf32>,
        %get3A_921 = vector.shape_cast %get3A_920 : vector<1x16xf32> to vector<16xf32>
        %add3A_922 = arith.addf %add3A_915, %get3A_921 : vector<16xf32>
        %add3A_923 = arith.constant 7 : i32
        %add3A_924 = arith.addi %mul3A_66, %add3A_923 : i32
        %get3A_925 = arith.index_cast %add3A_924 : i32 to index
        %get3A_926 = arith.constant 32 : index
        %get3A_927 = tpu.vector_load %arg12[%get3A_925, %get3A_926] {strides = array<i32>} : memref<128x64xf32, #tpu.memory_space<vmem>>, vector<1x16xf32>,
        %get3A_928 = vector.shape_cast %get3A_927 : vector<1x16xf32> to vector<16xf32>
        %add3A_929 = arith.addf %add3A_922, %get3A_928 : vector<16xf32>
        %swap3A_930 = arith.index_cast %scan3A_64 : i32 to index
        %swap3A_931 = arith.constant 224 : index
        %swap3A_932 = tpu.vector_load %arg13[%swap3A_930, %swap3A_931] {strides = array<i32>} : memref<16x256xf32, #tpu.memory_space<vmem>>, vector<1x16xf32>,
        %swap3A_933 = vector.shape_cast %swap3A_932 : vector<1x16xf32> to vector<16xf32>
        %swap3A_934 = vector.shape_cast %add3A_929 : vector<16xf32> to vector<1x16xf32>
        tpu.vector_store %arg13[%swap3A_930, %swap3A_931], %swap3A_934 {strides = array<i32>} : memref<16x256xf32, #tpu.memory_space<vmem>>, vector<1x16xf32>,
        %get3A_935 = arith.index_cast %mul3A_66 : i32 to index
        %get3A_936 = arith.constant 48 : index
        %get3A_937 = tpu.vector_load %arg12[%get3A_935, %get3A_936] {strides = array<i32>} : memref<128x64xf32, #tpu.memory_space<vmem>>, vector<1x16xf32>,
        %get3A_938 = vector.shape_cast %get3A_937 : vector<1x16xf32> to vector<16xf32>
        %add3A_939 = arith.constant 1 : i32
        %add3A_940 = arith.addi %mul3A_66, %add3A_939 : i32
        %get3A_941 = arith.index_cast %add3A_940 : i32 to index
        %get3A_942 = arith.constant 48 : index
        %get3A_943 = tpu.vector_load %arg12[%get3A_941, %get3A_942] {strides = array<i32>} : memref<128x64xf32, #tpu.memory_space<vmem>>, vector<1x16xf32>,
        %get3A_944 = vector.shape_cast %get3A_943 : vector<1x16xf32> to vector<16xf32>
        %add3A_945 = arith.addf %get3A_938, %get3A_944 : vector<16xf32>
        %add3A_946 = arith.constant 2 : i32
        %add3A_947 = arith.addi %mul3A_66, %add3A_946 : i32
        %get3A_948 = arith.index_cast %add3A_947 : i32 to index
        %get3A_949 = arith.constant 48 : index
        %get3A_950 = tpu.vector_load %arg12[%get3A_948, %get3A_949] {strides = array<i32>} : memref<128x64xf32, #tpu.memory_space<vmem>>, vector<1x16xf32>,
        %get3A_951 = vector.shape_cast %get3A_950 : vector<1x16xf32> to vector<16xf32>
        %add3A_952 = arith.addf %add3A_945, %get3A_951 : vector<16xf32>
        %add3A_953 = arith.constant 3 : i32
        %add3A_954 = arith.addi %mul3A_66, %add3A_953 : i32
        %get3A_955 = arith.index_cast %add3A_954 : i32 to index
        %get3A_956 = arith.constant 48 : index
        %get3A_957 = tpu.vector_load %arg12[%get3A_955, %get3A_956] {strides = array<i32>} : memref<128x64xf32, #tpu.memory_space<vmem>>, vector<1x16xf32>,
        %get3A_958 = vector.shape_cast %get3A_957 : vector<1x16xf32> to vector<16xf32>
        %add3A_959 = arith.addf %add3A_952, %get3A_958 : vector<16xf32>
        %add3A_960 = arith.constant 4 : i32
        %add3A_961 = arith.addi %mul3A_66, %add3A_960 : i32
        %get3A_962 = arith.index_cast %add3A_961 : i32 to index
        %get3A_963 = arith.constant 48 : index
        %get3A_964 = tpu.vector_load %arg12[%get3A_962, %get3A_963] {strides = array<i32>} : memref<128x64xf32, #tpu.memory_space<vmem>>, vector<1x16xf32>,
        %get3A_965 = vector.shape_cast %get3A_964 : vector<1x16xf32> to vector<16xf32>
        %add3A_966 = arith.addf %add3A_959, %get3A_965 : vector<16xf32>
        %add3A_967 = arith.constant 5 : i32
        %add3A_968 = arith.addi %mul3A_66, %add3A_967 : i32
        %get3A_969 = arith.index_cast %add3A_968 : i32 to index
        %get3A_970 = arith.constant 48 : index
        %get3A_971 = tpu.vector_load %arg12[%get3A_969, %get3A_970] {strides = array<i32>} : memref<128x64xf32, #tpu.memory_space<vmem>>, vector<1x16xf32>,
        %get3A_972 = vector.shape_cast %get3A_971 : vector<1x16xf32> to vector<16xf32>
        %add3A_973 = arith.addf %add3A_966, %get3A_972 : vector<16xf32>
        %add3A_974 = arith.constant 6 : i32
        %add3A_975 = arith.addi %mul3A_66, %add3A_974 : i32
        %get3A_976 = arith.index_cast %add3A_975 : i32 to index
        %get3A_977 = arith.constant 48 : index
        %get3A_978 = tpu.vector_load %arg12[%get3A_976, %get3A_977] {strides = array<i32>} : memref<128x64xf32, #tpu.memory_space<vmem>>, vector<1x16xf32>,
        %get3A_979 = vector.shape_cast %get3A_978 : vector<1x16xf32> to vector<16xf32>
        %add3A_980 = arith.addf %add3A_973, %get3A_979 : vector<16xf32>
        %add3A_981 = arith.constant 7 : i32
        %add3A_982 = arith.addi %mul3A_66, %add3A_981 : i32
        %get3A_983 = arith.index_cast %add3A_982 : i32 to index
        %get3A_984 = arith.constant 48 : index
        %get3A_985 = tpu.vector_load %arg12[%get3A_983, %get3A_984] {strides = array<i32>} : memref<128x64xf32, #tpu.memory_space<vmem>>, vector<1x16xf32>,
        %get3A_986 = vector.shape_cast %get3A_985 : vector<1x16xf32> to vector<16xf32>
        %add3A_987 = arith.addf %add3A_980, %get3A_986 : vector<16xf32>
        %swap3A_988 = arith.index_cast %scan3A_64 : i32 to index
        %swap3A_989 = arith.constant 240 : index
        %swap3A_990 = tpu.vector_load %arg13[%swap3A_988, %swap3A_989] {strides = array<i32>} : memref<16x256xf32, #tpu.memory_space<vmem>>, vector<1x16xf32>,
        %swap3A_991 = vector.shape_cast %swap3A_990 : vector<1x16xf32> to vector<16xf32>
        %swap3A_992 = vector.shape_cast %add3A_987 : vector<16xf32> to vector<1x16xf32>
        tpu.vector_store %arg13[%swap3A_988, %swap3A_989], %swap3A_992 {strides = array<i32>} : memref<16x256xf32, #tpu.memory_space<vmem>>, vector<1x16xf32>,
      }
      %scan3A_58 = arith.constant 16 : i32
      %mul3A_59 = arith.constant 512 : i32
      %mul3A_60 = arith.muli %add3A, %mul3A_59 : i32
      %mul3A_61 = arith.constant 16 : i32
      %mul3A_62 = arith.muli %scan3A_6, %mul3A_61 : i32
      %add3A_63 = arith.addi %mul3A_60, %mul3A_62 : i32
      "tpu.region"() ({
        %run_scoped3A = tpu.sem_alloc : memref<!tpu.dma_semaphore, #tpu.memory_space<semaphore_mem>>
        %dma_start3A_64 = arith.constant 0 : i32
        %dma_start3A_65 = tpu.memref_slice %arg6[%add3A_63, %dma_start3A_64] : memref<16384x256xf32, #tpu.memory_space<hbm>> -> memref<16x256xf32, #tpu.memory_space<hbm>>
        %dma_start3A_66 = arith.constant 0 : i32
        %dma_start3A_67 = tpu.memref_slice %arg6[%add3A_63, %dma_start3A_66] : memref<16384x256xf32, #tpu.memory_space<hbm>> -> memref<16x256xf32, #tpu.memory_space<hbm>>
        tpu.enqueue_dma source(%arg13 : memref<16x256xf32, #tpu.memory_space<vmem>>) target(%dma_start3A_67 : memref<16x256xf32, #tpu.memory_space<hbm>>) target_semaphore(%run_scoped3A : memref<!tpu.dma_semaphore, #tpu.memory_space<semaphore_mem>>)
        %dma_wait3A_68 = arith.constant 0 : i32
        %dma_wait3A_69 = tpu.memref_slice %arg6[%add3A_63, %dma_wait3A_68] : memref<16384x256xf32, #tpu.memory_space<hbm>> -> memref<16x256xf32, #tpu.memory_space<hbm>>
        %dma_wait3A_70 = arith.constant 0 : i32
        %dma_wait3A_71 = tpu.memref_slice %arg6[%add3A_63, %dma_wait3A_70] : memref<16384x256xf32, #tpu.memory_space<hbm>> -> memref<16x256xf32, #tpu.memory_space<hbm>>
        tpu.wait_dma2 semaphore(%run_scoped3A : memref<!tpu.dma_semaphore, #tpu.memory_space<semaphore_mem>>) src(%arg13 : memref<16x256xf32, #tpu.memory_space<vmem>>) dst(%dma_wait3A_71 : memref<16x256xf32, #tpu.memory_space<hbm>>)
        tpu.yield
      }) : () -> ()
    }
    %scan3A_5 = arith.constant 32 : i32
    return
  }
}

module attributes {stable_mosaic.version = 14 : i64} {
  func.func @body(%arg0: i32, %arg1: memref<2048x256xf32, #tpu.memory_space<vmem>>, %arg2: memref<256x256xf32, #tpu.memory_space<vmem>>, %arg3: memref<256xf32, #tpu.memory_space<vmem>>, %arg4: memref<256xf32, #tpu.memory_space<vmem>>, %arg5: memref<256xf32, #tpu.memory_space<vmem>>, %arg6: memref<256x64xf32, #tpu.memory_space<vmem>>, %arg7: memref<64xf32, #tpu.memory_space<vmem>>, %arg8: memref<1x64xf32, #tpu.memory_space<vmem>>, %arg9: memref<1xf32, #tpu.memory_space<vmem>>, %arg10: memref<2048xf32, #tpu.memory_space<vmem>>) attributes {dimension_semantics = [#tpu.dimension_semantics<arbitrary>], iteration_bounds = array<i64: 8>, scalar_prefetch = 0 : i64, scratch_operands = 0 : i64, tpu.core_type = #tpu.core_type<tc>, window_params = [{transform_indices = @transform_0, window_bounds = array<i64: 2048, 256>}, {pipeline_mode = #tpu.pipeline_mode<synchronous>, transform_indices = @transform_1, window_bounds = array<i64: 256, 256>}, {pipeline_mode = #tpu.pipeline_mode<synchronous>, transform_indices = @transform_2, window_bounds = array<i64: 256>}, {pipeline_mode = #tpu.pipeline_mode<synchronous>, transform_indices = @transform_3, window_bounds = array<i64: 256>}, {pipeline_mode = #tpu.pipeline_mode<synchronous>, transform_indices = @transform_4, window_bounds = array<i64: 256>}, {pipeline_mode = #tpu.pipeline_mode<synchronous>, transform_indices = @transform_5, window_bounds = array<i64: 256, 64>}, {pipeline_mode = #tpu.pipeline_mode<synchronous>, transform_indices = @transform_6, window_bounds = array<i64: 64>}, {pipeline_mode = #tpu.pipeline_mode<synchronous>, transform_indices = @transform_7, window_bounds = array<i64: 1, 64>}, {pipeline_mode = #tpu.pipeline_mode<synchronous>, transform_indices = @transform_8, window_bounds = array<i64: 1>}, {transform_indices = @transform_9, window_bounds = array<i64: 2048>}]} {
    %get3A = arith.constant 0 : index
    %get3A_0 = arith.constant 0 : index
    %get3A_1 = vector.load %arg1[%get3A, %get3A_0] : memref<2048x256xf32, #tpu.memory_space<vmem>>, vector<2048x256xf32>
    %get3A_2 = arith.constant 0 : index
    %get3A_3 = arith.constant 0 : index
    %get3A_4 = vector.load %arg2[%get3A_2, %get3A_3] : memref<256x256xf32, #tpu.memory_space<vmem>>, vector<256x256xf32>
    %dot_general3A = arith.constant dense<0.000000e+00> : vector<2048x256xf32>
    %dot_general3A_5 = tpu.matmul %get3A_1, %get3A_4, %dot_general3A {dimension_numbers = #tpu.dot_dimension_numbers<[1], [0], [0], [1], [0, 0, 1, 1], [], []>, transpose_lhs_hint = false} : vector<2048x256xf32>, vector<256x256xf32>, vector<2048x256xf32> -> vector<2048x256xf32>
    %get3A_6 = arith.constant 0 : index
    %get3A_7 = vector.load %arg3[%get3A_6] : memref<256xf32, #tpu.memory_space<vmem>>, vector<256xf32>
    %broadcast_in_dim3A = vector.shape_cast %get3A_7 : vector<256xf32> to vector<1x256xf32>
    %add3A = vector.broadcast %broadcast_in_dim3A : vector<1x256xf32> to vector<2048x256xf32>
    %add3A_8 = arith.addf %dot_general3A_5, %add3A : vector<2048x256xf32>
    %reduce_sum3A = arith.constant dense<0.000000e+00> : vector<2048xf32>
    %reduce_sum3A_9 = vector.multi_reduction <add>, %add3A_8, %reduce_sum3A [1] : vector<2048x256xf32> to vector<2048xf32>
    %broadcast_in_dim3A_10 = vector.shape_cast %reduce_sum3A_9 : vector<2048xf32> to vector<2048x1xf32>
    %div3A = arith.constant 2.560000e+02 : f32
    %div3A_11 = vector.broadcast %div3A : f32 to vector<2048x1xf32>
    %div3A_12 = arith.divf %broadcast_in_dim3A_10, %div3A_11 : vector<2048x1xf32>
    %sub3A = vector.broadcast %div3A_12 : vector<2048x1xf32> to vector<2048x256xf32>
    %sub3A_13 = arith.subf %add3A_8, %sub3A : vector<2048x256xf32>
    %integer_pow3A = arith.mulf %sub3A_13, %sub3A_13 : vector<2048x256xf32>
    %reduce_sum3A_14 = arith.constant dense<0.000000e+00> : vector<2048xf32>
    %reduce_sum3A_15 = vector.multi_reduction <add>, %integer_pow3A, %reduce_sum3A_14 [1] : vector<2048x256xf32> to vector<2048xf32>
    %broadcast_in_dim3A_16 = vector.shape_cast %reduce_sum3A_15 : vector<2048xf32> to vector<2048x1xf32>
    %div3A_17 = arith.constant 2.560000e+02 : f32
    %div3A_18 = vector.broadcast %div3A_17 : f32 to vector<2048x1xf32>
    %div3A_19 = arith.divf %broadcast_in_dim3A_16, %div3A_18 : vector<2048x1xf32>
    %sub3A_20 = vector.broadcast %div3A_12 : vector<2048x1xf32> to vector<2048x256xf32>
    %sub3A_21 = arith.subf %add3A_8, %sub3A_20 : vector<2048x256xf32>
    %add3A_22 = arith.constant 9.99999974E-6 : f32
    %add3A_23 = vector.broadcast %add3A_22 : f32 to vector<2048x1xf32>
    %add3A_24 = arith.addf %div3A_19, %add3A_23 : vector<2048x1xf32>
    %rsqrt3A = math.rsqrt %add3A_24 : vector<2048x1xf32>
    %mul3A = vector.broadcast %rsqrt3A : vector<2048x1xf32> to vector<2048x256xf32>
    %mul3A_25 = arith.mulf %sub3A_21, %mul3A : vector<2048x256xf32>
    %get3A_26 = arith.constant 0 : index
    %get3A_27 = vector.load %arg4[%get3A_26] : memref<256xf32, #tpu.memory_space<vmem>>, vector<256xf32>
    %broadcast_in_dim3A_28 = vector.shape_cast %get3A_27 : vector<256xf32> to vector<1x256xf32>
    %mul3A_29 = vector.broadcast %broadcast_in_dim3A_28 : vector<1x256xf32> to vector<2048x256xf32>
    %mul3A_30 = arith.mulf %mul3A_25, %mul3A_29 : vector<2048x256xf32>
    %get3A_31 = arith.constant 0 : index
    %get3A_32 = vector.load %arg5[%get3A_31] : memref<256xf32, #tpu.memory_space<vmem>>, vector<256xf32>
    %broadcast_in_dim3A_33 = vector.shape_cast %get3A_32 : vector<256xf32> to vector<1x256xf32>
    %add3A_34 = vector.broadcast %broadcast_in_dim3A_33 : vector<1x256xf32> to vector<2048x256xf32>
    %add3A_35 = arith.addf %mul3A_30, %add3A_34 : vector<2048x256xf32>
    %max3A = arith.constant 0.000000e+00 : f32
    %max3A_36 = vector.broadcast %max3A : f32 to vector<2048x256xf32>
    %max3A_37 = arith.maximumf %add3A_35, %max3A_36 : vector<2048x256xf32>
    %get3A_38 = arith.constant 0 : index
    %get3A_39 = arith.constant 0 : index
    %get3A_40 = vector.load %arg6[%get3A_38, %get3A_39] : memref<256x64xf32, #tpu.memory_space<vmem>>, vector<256x64xf32>
    %dot_general3A_41 = arith.constant dense<0.000000e+00> : vector<2048x64xf32>
    %dot_general3A_42 = tpu.matmul %max3A_37, %get3A_40, %dot_general3A_41 {dimension_numbers = #tpu.dot_dimension_numbers<[1], [0], [0], [1], [0, 0, 1, 1], [], []>, transpose_lhs_hint = false} : vector<2048x256xf32>, vector<256x64xf32>, vector<2048x64xf32> -> vector<2048x64xf32>
    %get3A_43 = arith.constant 0 : index
    %get3A_44 = vector.load %arg7[%get3A_43] : memref<64xf32, #tpu.memory_space<vmem>>, vector<64xf32>
    %broadcast_in_dim3A_45 = vector.shape_cast %get3A_44 : vector<64xf32> to vector<1x64xf32>
    %add3A_46 = vector.broadcast %broadcast_in_dim3A_45 : vector<1x64xf32> to vector<2048x64xf32>
    %add3A_47 = arith.addf %dot_general3A_42, %add3A_46 : vector<2048x64xf32>
    %max3A_48 = arith.constant 0.000000e+00 : f32
    %max3A_49 = vector.broadcast %max3A_48 : f32 to vector<2048x64xf32>
    %max3A_50 = arith.maximumf %add3A_47, %max3A_49 : vector<2048x64xf32>
    %get3A_51 = arith.constant 0 : index
    %get3A_52 = arith.constant 0 : index
    %get3A_53 = vector.load %arg8[%get3A_51, %get3A_52] : memref<1x64xf32, #tpu.memory_space<vmem>>, vector<1x64xf32>
    %mul3A_54 = vector.broadcast %get3A_53 : vector<1x64xf32> to vector<2048x64xf32>
    %mul3A_55 = arith.mulf %max3A_50, %mul3A_54 : vector<2048x64xf32>
    %reduce_sum3A_56 = arith.constant dense<0.000000e+00> : vector<2048xf32>
    %reduce_sum3A_57 = vector.multi_reduction <add>, %mul3A_55, %reduce_sum3A_56 [1] : vector<2048x64xf32> to vector<2048xf32>
    %get3A_58 = arith.constant 0 : index
    %get3A_59 = vector.load %arg9[%get3A_58] : memref<1xf32, #tpu.memory_space<vmem>>, vector<1xf32>
    %get3A_60 = vector.extract %get3A_59[0] : f32 from vector<1xf32>
    %add3A_61 = vector.broadcast %get3A_60 : f32 to vector<2048xf32>
    %add3A_62 = arith.addf %reduce_sum3A_57, %add3A_61 : vector<2048xf32>
    %swap3A = arith.constant 0 : index
    %swap3A_63 = vector.load %arg10[%swap3A] : memref<2048xf32, #tpu.memory_space<vmem>>, vector<2048xf32>
    tpu.vector_store %arg10[%swap3A], %add3A_62 {strides = array<i32>} : memref<2048xf32, #tpu.memory_space<vmem>>, vector<2048xf32>,
    return
  }
  func.func @transform_0(%arg0: i32) -> (i32, i32) {
    %c0_i32 = arith.constant 0 : i32
    %c0_i32_0 = arith.constant 0 : i32
    return %arg0, %c0_i32 : i32, i32
  }
  func.func @transform_1(%arg0: i32) -> (i32, i32) {
    %c0_i32 = arith.constant 0 : i32
    %c0_i32_0 = arith.constant 0 : i32
    %c0_i32_1 = arith.constant 0 : i32
    return %c0_i32, %c0_i32_0 : i32, i32
  }
  func.func @transform_2(%arg0: i32) -> i32 {
    %c0_i32 = arith.constant 0 : i32
    %c0_i32_0 = arith.constant 0 : i32
    return %c0_i32 : i32
  }
  func.func @transform_3(%arg0: i32) -> i32 {
    %c0_i32 = arith.constant 0 : i32
    %c0_i32_0 = arith.constant 0 : i32
    return %c0_i32 : i32
  }
  func.func @transform_4(%arg0: i32) -> i32 {
    %c0_i32 = arith.constant 0 : i32
    %c0_i32_0 = arith.constant 0 : i32
    return %c0_i32 : i32
  }
  func.func @transform_5(%arg0: i32) -> (i32, i32) {
    %c0_i32 = arith.constant 0 : i32
    %c0_i32_0 = arith.constant 0 : i32
    %c0_i32_1 = arith.constant 0 : i32
    return %c0_i32, %c0_i32_0 : i32, i32
  }
  func.func @transform_6(%arg0: i32) -> i32 {
    %c0_i32 = arith.constant 0 : i32
    %c0_i32_0 = arith.constant 0 : i32
    return %c0_i32 : i32
  }
  func.func @transform_7(%arg0: i32) -> (i32, i32) {
    %c0_i32 = arith.constant 0 : i32
    %c0_i32_0 = arith.constant 0 : i32
    %c0_i32_1 = arith.constant 0 : i32
    return %c0_i32, %c0_i32_0 : i32, i32
  }
  func.func @transform_8(%arg0: i32) -> i32 {
    %c0_i32 = arith.constant 0 : i32
    %c0_i32_0 = arith.constant 0 : i32
    return %c0_i32 : i32
  }
  func.func @transform_9(%arg0: i32) -> i32 {
    %c0_i32 = arith.constant 0 : i32
    return %arg0 : i32
  }
}

</mosaic_0001>

<sc_bundles>
// kernel: kernel.4.cloned.1.call-start
scs
__scs_entry_jumppad:
0x0: {  	(pc) =	sbr.rel $0x88, $3  }
0x1: {  	(tag) =	ssettag $0x0;
	lr =	simm.s32 $0x1  }
0x2: {  	[smem:$0x3F95] =	sst lr;
	_ =	strace $0xD0000000  }
0x3: {  	_ = 	snop  }
0x4: {  	_ = 	snop  }
0x5: {  	_ = 	snop  }
0x6: {  	_ = 	snop  }
0x7: {  	_ = 	snop  }
__scs_overlays_trampoline_lowered:
0x8: {  	[smem:$0x3FA4] =	sst s0  }
0x9: {  	[smem:$0x3FA5] =	sst s1  }
0xa: {  	[smem:$0x3FA6] =	sst s2  }
0xb: {  	[smem:$0x3FA7] =	sst s3  }
0xc: {  	[smem:$0x3FA8] =	sst s4  }
0xd: {  	[smem:$0x3FA9] =	sst s5  }
0xe: {  	[smem:$0x3FAA] =	sst s6  }
0xf: {  	[smem:$0x3FAB] =	sst s7  }
0x10: {  	[smem:$0x3FAC] =	sst s8  }
0x11: {  	[smem:$0x3FAD] =	sst s9;
	s0 =	simm.s32 @!p0 $0x0  }
0x12: {  	s1 =	sld [smem:$0x3F93];
	s0 =	simm.s32 @p0 $0x1  }
0x13: {  	[smem:$0x3FAE] =	sst s0;
	s0 =	simm.s32 @!p1 $0x0  }
0x14: {  	s2 =	sld [smem:$0x3F92];
	s0 =	simm.s32 @p1 $0x1  }
0x15: {  	[smem:$0x3FAF] =	sst s0;
	s0 =	simm.s32 @!p2 $0x0  }
0x16: {  	s3 =	sld [smem:$0x3FDB];
	s0 =	simm.s32 @p2 $0x1  }
0x17: {  	s4 =	simm.s32 $0x1BF5;
	[smem:$0x3FB1] =	sst s0  }
0x18: {  	s0 =	sld [smem:$0x3F94];
	_ =	swait.ge [sflag:s4], $0x0  }
0x19: {  	s7 =	sld [smem:$0x3F95]  }
0x1a: {  	s8 =	sadd.s32 $0xFFFFE003, lr  }
0x1b: {  	s9 =	sadd.s32 $0xFFFFFEF7, lr;
	s5 =	simm.s32 $0xFFFFFFFF;
	p2 =	slt.u32 s8, $0xFFFFF086  }
0x1c: {  	p1 =	slt.u32 s9, $0xF7A;
	s5 =	simm.s32 @!p2 $0x0  }
0x1d: {  	s5 =	simm.s32 @p1 $0x1;
	p0 =	seq.s32 s7, s2  }
0x1e: {  	s7 =	smul.u32 @!p0 $0xF7A, s2;
	p2 =	seq.s32 @!p0 s5, $0x0  }
0x1f: {  	s9 =	smul.u32 $0xF7A, s1;
	s8 =	simm.s32 @!p0 $0x1BF5;
	p2 =	por !p2, p0  }
0x20: {  	[sflag:s8] =	ssyncset.s32 @!p0 $0xFFFFF086;
	s6 =	sadd.s32 @!p0 s3, s7;
	s7 =	simm.s32 @!p0 $0x108  }
0x21: {  	s3 =	sadd.s32 s3, s9;
	s6 =	sadd.s32 @!p0 $0x88, s6;
	s7 =	simm.s32 @p2 $0x1082  }
0x22: {  	[simem:s7], [sflag:s8] =	dma.local @!p0 [hbm:s6], $0xF7A  }
0x23: {  	s9 =	sor.u32 $0xD0000000, s2;
	s6 =	simm.s32 $0x108;
	_ =	swait.ge @!p0 [sflag:s8], $0x0  }
0x24: {  	s3 =	sadd.s32 $0x88, s3;
	s6 =	simm.s32 @!p1 $0x1082;
	[sflag:s4] =	ssyncset.s32 $0xFFFFF086  }
0x25: {  	[simem:s6], [sflag:s4] =	dma.local [hbm:s3], $0xF7A  }
0x26: {  	[smem:$0x3F95] =	sst s1;
	(tag) =	ssettag s2;
	_ =	strace s9  }
0x27: {  	s1 =	sld [smem:$0x3FA5]  }
0x28: {  	s2 =	sld [smem:$0x3FA6]  }
0x29: {  	s4 =	sld [smem:$0x3FA8]  }
0x2a: {  	p0 =	seq.s32 s5, $0x0;
	s5 =	sld [smem:$0x3FA9]  }
0x2b: {  	s6 =	sld [smem:$0x3FAA]  }
0x2c: {  	s7 =	sld [smem:$0x3FAB]  }
0x2d: {  	s3 =	simm.s32 $0x108;
	s8 =	sld [smem:$0x3FAC]  }
0x2e: {  	s3 =	simm.s32 @!p0 $0x1082;
	s9 =	sld [smem:$0x3FAD]  }
0x2f: {  	lr =	sadd.s32 s0, s3;
	s0 =	sld [smem:$0x3FA4]  }
0x30: {  	s3 =	sld [smem:$0x3FA7]  }
0x31: {  	[smem:$0x3FB0] =	sst s10  }
0x32: {  	s10 =	sld [smem:$0x3FAE];
	_ =	sdelay $0x3  }
0x33: {  	p0 =	seq.s32 s10, $0x1;
	s10 =	sld [smem:$0x3FB0];
	_ =	sdelay $0x3  }
0x34: {  	[smem:$0x3FB0] =	sst s10  }
0x35: {  	s10 =	sld [smem:$0x3FAF];
	_ =	sdelay $0x3  }
0x36: {  	p1 =	seq.s32 s10, $0x1;
	s10 =	sld [smem:$0x3FB0];
	_ =	sdelay $0x3  }
0x37: {  	[smem:$0x3FB0] =	sst s10  }
0x38: {  	s10 =	sld [smem:$0x3FB1]  }
0x39: {  	_ = 	snop;
	(pc) =	sbr.ind lr, $3  }
0x3a: {  	_ = 	snop  }
0x3b: {  	_ = 	snop  }
0x3c: {  	p2 =	seq.s32 s10, $0x1;
	s10 =	sld [smem:$0x3FB0]  }
0x3d: {  	_ =	shalt  }
0x3e: {  	_ =	shalt  }
0x3f: {  	_ =	shalt  }
0x40: {  	_ =	shalt  }
0x41: {  	_ =	shalt  }
0x42: {  	_ =	shalt  }
0x43: {  	_ =	shalt  }
0x44: {  	_ =	shalt  }
0x45: {  	_ =	shalt  }
0x46: {  	_ =	shalt  }
0x47: {  	_ =	shalt  }
0x48: {  	_ =	shalt  }
0x49: {  	_ =	shalt  }
0x4a: {  	_ =	shalt  }
0x4b: {  	_ =	shalt  }
0x4c: {  	_ =	shalt  }
0x4d: {  	_ =	shalt  }
0x4e: {  	_ =	shalt  }
0x4f: {  	_ =	shalt  }
0x50: {  	_ =	shalt  }
0x51: {  	_ =	shalt  }
0x52: {  	_ =	shalt  }
0x53: {  	_ =	shalt  }
0x54: {  	_ =	shalt  }
0x55: {  	_ =	shalt  }
0x56: {  	_ =	shalt  }
0x57: {  	_ =	shalt  }
0x58: {  	_ =	shalt  }
0x59: {  	_ =	shalt  }
0x5a: {  	_ =	shalt  }
0x5b: {  	_ =	shalt  }
0x5c: {  	_ =	shalt  }
0x5d: {  	_ =	shalt  }
0x5e: {  	_ =	shalt  }
0x5f: {  	_ =	shalt  }
0x60: {  	_ =	shalt  }
0x61: {  	_ =	shalt  }
0x62: {  	_ =	shalt  }
0x63: {  	_ =	shalt  }
0x64: {  	_ =	shalt  }
0x65: {  	_ =	shalt  }
0x66: {  	_ =	shalt  }
0x67: {  	_ =	shalt  }
0x68: {  	_ =	shalt  }
0x69: {  	_ =	shalt  }
0x6a: {  	_ =	shalt  }
0x6b: {  	_ =	shalt  }
0x6c: {  	_ =	shalt  }
0x6d: {  	_ =	shalt  }
0x6e: {  	_ =	shalt  }
0x6f: {  	_ =	shalt  }
0x70: {  	_ =	shalt  }
0x71: {  	_ =	shalt  }
0x72: {  	_ =	shalt  }
0x73: {  	_ =	shalt  }
0x74: {  	_ =	shalt  }
0x75: {  	_ =	shalt  }
0x76: {  	_ =	shalt  }
0x77: {  	_ =	shalt  }
0x78: {  	_ =	shalt  }
0x79: {  	_ =	shalt  }
0x7a: {  	_ =	shalt  }
0x7b: {  	_ =	shalt  }
0x7c: {  	_ =	shalt  }
0x7d: {  	_ =	shalt  }
0x7e: {  	_ =	shalt  }
0x7f: {  	_ =	shalt  }
0x80: {  	_ =	shalt  }
0x81: {  	_ =	shalt  }
0x82: {  	_ =	shalt  }
0x83: {  	_ =	shalt  }
0x84: {  	_ =	shalt  }
0x85: {  	_ =	shalt  }
0x86: {  	_ =	shalt  }
0x87: {  	_ =	shalt  }
.Lfunc_end0:
.L_simem_size_0:
called_computation_lowered:
.L_overlay_start_0:
0x88: {  	s2 =	sld [smem:$0x3FD9]  }
0x89: {  	s3 =	sld [smem:$0x3FFE];
	_ =	sdelay $0x1  }
0x8a: {  	s1 =	srdreg.scid  }
0x8b: {  	s0 =	sand.u32 $0x1, s1  }
0x8c: {  	s16 =	sshll.u32 s0, $0xA;
	s2 =	sadd.s32 s3, s2  }
0x8d: {  	s2 =	sadd.s32 s2, s16  }
0x8e: {  	[smem:$0x3FBC] =	sst s2  }
0x8f: {  	_ = 	snop  }
0x90: {  	(tm) =	ssettm $0x1  }
0x91: {  	s17 =	sld [smem:$0x3FFB];
	_ =	sdelay $0x3  }
0x92: {  	_ =	strace s17  }
0x93: {  	s2 =	sld [smem:$0x3FFC];
	_ =	sdelay $0x3  }
0x94: {  	_ =	strace s2  }
0x95: {  	s2 =	sld [smem:$0x3FFD];
	_ =	sdelay $0x3  }
0x96: {  	_ =	strace s2  }
0x97: {  	_ =	strace $0x8FFFFFFF  }
0x98: {  	s18 =	sld [smem:$0x3FDB];
	_ =	sdelay $0x1  }
0x99: {  	s19 =	simm.s32 $_scs_section_size  }
0x9a: {  	s4 =	simm.s32 $_size__tile_overlayer_lowered;
	s5 =	simm.s32 $_tile_overlayer_lowered  }
0x9b: {  	s22 =	simm.s32 $0x1BFF;
	s21 =	sshll.u32 s5, $0x1;
	s2 =	sadd.s32 s19, s18  }
0x9c: {  	s6 =	simm.s32 $0x0;
	s20 =	sshll.u32 s4, $0x1;
	s4 =	sadd.s32 s21, s2  }
0x9d: {  	[timem:s6], [sflag:s22] =	dma.local [hbm:s4], s20  }
0x9e: {  	_ =	swait.ge [sflag:s22], s20  }
0x9f: {  	s3 =	ssub.s32 $0x0, s20;
	[sflag:s22] =	ssyncset.done $0x0  }
0xa0: {  	[sflag:s22] =	ssyncadd.s32 s3;
	_ =	sdelay $0x1  }
0xa1: {  	s23 =	simm.s32 $0x1B8B  }
0xa2: {  	_ =	swait.ge [sflag:s23], $0x1  }
0xa3: {  	[sflag:s23] =	ssyncset.done $0x0  }
0xa4: {  	s25 =	simm.s32 $0x1B8E;
	s24 =	sld [smem:$0x3FFE];
	[sflag:s23] =	ssyncadd.s32 $0xFFFFFFFF  }
0xa5: {  	s26 =	simm.s32 $execute0_lowered;
	[smem:$0x3FD2] =	sst s25  }
0xa6: {  	s4 =	sshll.u32 s26, $0x1;
	_ =	strace $0x80000046;
	[dreg:$0x1] =	wrdreg $0xFFFFFFFF  }
0xa7: {  	s28 =	simm.s32 $_size_execute0_lowered;
	s2 =	sadd.s32 s2, s4;
	[dreg:$0x0] =	wrdreg $0x0  }
0xa8: {  	s4 =	sshll.u32 s28, $0x1;
	[dreg:$0x2] =	wrdreg s2  }
0xa9: {  	[dreg:$0x3] =	wrdreg s4  }
0xaa: {  	[dreg:$0x4] =	wrdreg $0xC0  }
0xab: {  	_ =	task [dreg:s6], $0x5FFFF  }
0xac: {  	[dreg:$0x1] =	wrdreg $0xFFFFFFFF  }
0xad: {  	[dreg:$0x0] =	wrdreg $0x60  }
0xae: {  	[dreg:$0x2] =	wrdreg s24  }
0xaf: {  	[dreg:$0x3] =	wrdreg $0x9  }
0xb0: {  	_ =	task.clear_ibuf [dreg:s6], $0x4FFFF;
	_ =	strace $0x90000046  }
0xb1: {  	s29 =	simm.s32 $0x9;
	_ =	strace $0x80000048  }
0xb2: {  	_ =	swait.ge [sflag:s29], $0x1  }
0xb3: {  	[sflag:s29] =	ssyncadd.s32 $0xFFFFFFFF  }
0xb4: {  	_ =	strace $0x90000048  }
0xb5: {  	_ =	sfence  }
0xb6: {  	s30 =	sld [smem:$0x0];
	_ =	sdelay $0x2  }
0xb7: {  	s31 =	sshll.u32 s1, $0xD;
	s1 =	sshrl.u32 s1, $0x2  }
0xb8: {  	s3 =	sand.u32 $0x4000, s31;
	s1 =	sadd.s32 s1, s30  }
0xb9: {  	s0 =	sor.u32 s3, s0;
	s1 =	sshll.u32 s1, $0x11  }
0xba: {  	s0 =	sor.u32 s1, s0  }
0xbb: {  	s0 =	sadd.s32 $0x8F2B, s0  }
0xbc: {  	[sflag:s0] =	ssyncadd.remote.s32 $0x1  }
0xbd: {  	_ =	sfence.sel $0xFFFF  }
0xbe: {  	[dreg:$0x0] =	wrdreg $0xFFFFFFFF;
	(pc) =	sbr.abs _section_cstart, $3  }
0xbf: {  	[dreg:$0x1] =	wrdreg $0xFFFFFFFF  }
0xc0: {  	_ =	task.clear_ibuf [dreg:s6], $0x2FFFF;
	_ =	strace $0x9FFFFFFF  }
0xc1: {  	(tm) =	ssettm $0x7FFFFFFF  }
tec
execute0_lowered:
.L_overlay_start_1:
0x0: {  	(tag) =	ssettag $0x1  }
0x1: {  	s5 =	rddreg [dreg:$0x0]  }
0x2: {  	s0 =	rddreg [dreg:$0x1];
	s2 =	simm.s32 $0x0  }
0x3: {  	s3 =	srdreg.scid;
	s1 =	stileid.u32;
	s10 =	simm.s32 $0x1000  }
0x4: {  	s11 =	simm.s32 $0x80;
	s12 =	simm.s32 $0x2000;
	s13 =	simm.s32 $0x4000  }
0x5: {  	s14 =	simm.s32 $0x6000;
	s15 =	simm.s32 $0x8000;
	s16 =	simm.s32 $0x1  }
0x6: {  	s17 =	simm.s32 $0xA000;
	s18 =	simm.s32 $0x0;
	[smem:$0x7FF] =	sst s2  }
0x7: {  	s6 =	sand.u32 $0x1, s3;
	s7 =	sshll.u32 s1, $0x1;
	s3 =	sadd.s32 $0x16E4C00, s5  }
0x8: {  	s4 =	sadd.s32 $0xF43A00, s5;
	_ =	strace $0x80000047;
	s7 =	sor.u32 s6, s7  }
0x9: {  	s6 =	ssub.s32 $0x2, s6;
	s8 =	sshll.u32 s7, $0x9;
	s7 =	sshll.u32 s7, $0xE  }
0xa: {  	s31 =	sshrl.u32 s6, $0x1;
	s8 =	sadd.s32 s8, s5;
	s7 =	sadd.s32 s7, s5  }
0xb: {  	s9 =	ssub.s32 s6, s31;
	s5 =	sadd.s32 $0x5600, s8;
	s6 =	sadd.s32 $0x1600, s8  }
0xc: {  	s7 =	sadd.s32 $0x9600, s7;
	s8 =	smax.u32 s9, $0x1;
	s9 =	simm.s32 $0x2  }
.LBB2_1:
0xd: {  	[tilespmem:s2], [sflag:$0x2] =	stream.linear.gather [hbm4b:s5+s2], $0x1000, $0x38;
	[tilespmem:$0xB000] =	vst v63  }
0xe: {  	_ =	swait.ge [sflag:s9], $0x1000  }
0xf: {  	[sflag:s9] =	ssyncset.done $0x0  }
0x10: {  	[sflag:s9] =	ssyncadd.s32 $0xFFFFF000  }
0x11: {  	[tilespmem:s10], [sflag:$0x2] =	stream.linear.gather [hbm4b:s6+s2], $0x1000, $0x38;
	[tilespmem:$0xB000] =	vst v63  }
0x12: {  	_ =	swait.ge [sflag:s9], $0x1000  }
0x13: {  	[sflag:s9] =	ssyncset.done $0x0  }
0x14: {  	s19 =	simm.s32 $0x0;
	[sflag:s9] =	ssyncadd.s32 $0xFFFFF000  }
.LBB2_2:
0x15: {  	s20 =	sshll.u32 s19, $0x7  }
0x16: {  	[tilespmem:s12], [sflag:$0x1] =	stream.indirect.gather [hbm4b:s3+s11], $0x40, s20, s11, $0xb8;
	[tilespmem:$0xB000] =	vst v63  }
0x17: {  	_ = 	snop  }
0x18: {  	[tilespmem:s13], [sflag:$0x1] =	stream.indirect.gather [hbm4b:s4+s11], $0x40, s20, s11, $0xb8;
	[tilespmem:$0xB000] =	vst v63  }
0x19: {  	s20 =	sadd.s32 $0x1000, s20  }
0x1a: {  	[tilespmem:s14], [sflag:$0x1] =	stream.indirect.gather [hbm4b:s3+s11], $0x40, s20, s11, $0xb8;
	[tilespmem:$0xB000] =	vst v63  }
0x1b: {  	_ = 	snop  }
0x1c: {  	[tilespmem:s15], [sflag:$0x1] =	stream.indirect.gather [hbm4b:s4+s11], $0x40, s20, s11, $0xb8;
	[tilespmem:$0xB000] =	vst v63  }
0x1d: {  	_ =	swait.ge [sflag:s16], $0x2000  }
0x1e: {  	[sflag:s16] =	ssyncset.done $0x0  }
0x1f: {  	[sflag:s16] =	ssyncadd.s32 $0xFFFFE000  }
0x20: {  	_ =	swait.ge [sflag:s16], $0x2000  }
0x21: {  	[sflag:s16] =	ssyncset.done $0x0  }
0x22: {  	[sflag:s16] =	ssyncadd.s32 $0xFFFFE000  }
0x23: {  	_ =	swait.ge [sflag:s16], $0x2000  }
0x24: {  	[sflag:s16] =	ssyncset.done $0x0  }
0x25: {  	[sflag:s16] =	ssyncadd.s32 $0xFFFFE000  }
0x26: {  	_ =	swait.ge [sflag:s16], $0x2000  }
0x27: {  	[sflag:s16] =	ssyncset.done $0x0  }
0x28: {  	s20 =	simm.s32 $0x0;
	[sflag:s16] =	ssyncadd.s32 $0xFFFFE000  }
0x29: {  	v0 =	vld [tilespmem:s20+$0x2000]  }
0x2a: {  	v1 =	vld [tilespmem:s20+$0x2040];
	_ =	sdelay $0x1  }
0x2b: {  	v2 =	vld [tilespmem:s20+$0x2080];
	_ =	sdelay $0x1  }
0x2c: {  	v3 =	vld [tilespmem:s20+$0x20C0]  }
0x2d: {  	v0 =	vadd.f32 v1, v0  }
0x2e: {  	v1 =	vld [tilespmem:s20+$0x2100]  }
0x2f: {  	v0 =	vadd.f32 v2, v0  }
0x30: {  	v2 =	vld [tilespmem:s20+$0x2140]  }
0x31: {  	v0 =	vadd.f32 v3, v0  }
0x32: {  	v3 =	vld [tilespmem:s20+$0x2180]  }
0x33: {  	v0 =	vadd.f32 v1, v0  }
0x34: {  	v1 =	vld [tilespmem:s20+$0x21C0]  }
0x35: {  	v0 =	vadd.f32 v2, v0;
	_ =	sdelay $0x1  }
0x36: {  	v0 =	vadd.f32 v3, v0;
	_ =	sdelay $0x1  }
0x37: {  	v0 =	vadd.f32 v1, v0  }
0x38: {  	s21 =	simm.s32 $0xA080  }
0x39: {  	[tilespmem:s21+$0xFFFFFF80] =	vst v0  }
0x3a: {  	v0 =	vld [tilespmem:s20+$0x2010]  }
0x3b: {  	v1 =	vld [tilespmem:s20+$0x2050];
	_ =	sdelay $0x1  }
0x3c: {  	v2 =	vld [tilespmem:s20+$0x2090];
	_ =	sdelay $0x1  }
0x3d: {  	v3 =	vld [tilespmem:s20+$0x20D0]  }
0x3e: {  	v0 =	vadd.f32 v1, v0  }
0x3f: {  	v1 =	vld [tilespmem:s20+$0x2110]  }
0x40: {  	v0 =	vadd.f32 v2, v0  }
0x41: {  	v2 =	vld [tilespmem:s20+$0x2150]  }
0x42: {  	v0 =	vadd.f32 v3, v0  }
0x43: {  	v3 =	vld [tilespmem:s20+$0x2190]  }
0x44: {  	v0 =	vadd.f32 v1, v0  }
0x45: {  	v1 =	vld [tilespmem:s20+$0x21D0]  }
0x46: {  	v0 =	vadd.f32 v2, v0;
	_ =	sdelay $0x1  }
0x47: {  	v0 =	vadd.f32 v3, v0;
	_ =	sdelay $0x1  }
0x48: {  	v0 =	vadd.f32 v1, v0;
	_ =	sdelay $0x1  }
0x49: {  	[tilespmem:s21+$0xFFFFFF90] =	vst v0  }
0x4a: {  	v0 =	vld [tilespmem:s20+$0x2020]  }
0x4b: {  	v1 =	vld [tilespmem:s20+$0x2060];
	_ =	sdelay $0x1  }
0x4c: {  	v2 =	vld [tilespmem:s20+$0x20A0];
	_ =	sdelay $0x1  }
0x4d: {  	v3 =	vld [tilespmem:s20+$0x20E0]  }
0x4e: {  	v0 =	vadd.f32 v1, v0  }
0x4f: {  	v1 =	vld [tilespmem:s20+$0x2120]  }
0x50: {  	v0 =	vadd.f32 v2, v0  }
0x51: {  	v2 =	vld [tilespmem:s20+$0x2160]  }
0x52: {  	v0 =	vadd.f32 v3, v0  }
0x53: {  	v3 =	vld [tilespmem:s20+$0x21A0]  }
0x54: {  	v0 =	vadd.f32 v1, v0  }
0x55: {  	v1 =	vld [tilespmem:s20+$0x21E0]  }
0x56: {  	v0 =	vadd.f32 v2, v0;
	_ =	sdelay $0x1  }
0x57: {  	v0 =	vadd.f32 v3, v0;
	_ =	sdelay $0x1  }
0x58: {  	v0 =	vadd.f32 v1, v0;
	_ =	sdelay $0x1  }
0x59: {  	[tilespmem:s21+$0xFFFFFFA0] =	vst v0  }
0x5a: {  	v0 =	vld [tilespmem:s20+$0x2030]  }
0x5b: {  	v1 =	vld [tilespmem:s20+$0x2070];
	_ =	sdelay $0x1  }
0x5c: {  	v2 =	vld [tilespmem:s20+$0x20B0];
	_ =	sdelay $0x1  }
0x5d: {  	v3 =	vld [tilespmem:s20+$0x20F0]  }
0x5e: {  	v0 =	vadd.f32 v1, v0  }
0x5f: {  	v1 =	vld [tilespmem:s20+$0x2130]  }
0x60: {  	v0 =	vadd.f32 v2, v0  }
0x61: {  	v2 =	vld [tilespmem:s20+$0x2170]  }
0x62: {  	v0 =	vadd.f32 v3, v0  }
0x63: {  	v3 =	vld [tilespmem:s20+$0x21B0]  }
0x64: {  	v0 =	vadd.f32 v1, v0  }
0x65: {  	v1 =	vld [tilespmem:s20+$0x21F0]  }
0x66: {  	v0 =	vadd.f32 v2, v0;
	_ =	sdelay $0x1  }
0x67: {  	v0 =	vadd.f32 v3, v0;
	_ =	sdelay $0x1  }
0x68: {  	v0 =	vadd.f32 v1, v0;
	_ =	sdelay $0x1  }
0x69: {  	[tilespmem:s21+$0xFFFFFFB0] =	vst v0  }
0x6a: {  	v0 =	vld [tilespmem:s20+$0x4000]  }
0x6b: {  	v1 =	vld [tilespmem:s20+$0x4040];
	_ =	sdelay $0x1  }
0x6c: {  	v2 =	vld [tilespmem:s20+$0x4080];
	_ =	sdelay $0x1  }
0x6d: {  	v3 =	vld [tilespmem:s20+$0x40C0]  }
0x6e: {  	v0 =	vadd.f32 v1, v0  }
0x6f: {  	v1 =	vld [tilespmem:s20+$0x4100]  }
0x70: {  	v0 =	vadd.f32 v2, v0  }
0x71: {  	v2 =	vld [tilespmem:s20+$0x4140]  }
0x72: {  	v0 =	vadd.f32 v3, v0  }
0x73: {  	v3 =	vld [tilespmem:s20+$0x4180]  }
0x74: {  	v0 =	vadd.f32 v1, v0  }
0x75: {  	v1 =	vld [tilespmem:s20+$0x41C0]  }
0x76: {  	v0 =	vadd.f32 v2, v0;
	_ =	sdelay $0x1  }
0x77: {  	v0 =	vadd.f32 v3, v0;
	_ =	sdelay $0x1  }
0x78: {  	v0 =	vadd.f32 v1, v0;
	_ =	sdelay $0x1  }
0x79: {  	[tilespmem:s21+$0xFFFFFFC0] =	vst v0  }
0x7a: {  	v0 =	vld [tilespmem:s20+$0x4010]  }
0x7b: {  	v1 =	vld [tilespmem:s20+$0x4050];
	_ =	sdelay $0x1  }
0x7c: {  	v2 =	vld [tilespmem:s20+$0x4090];
	_ =	sdelay $0x1  }
0x7d: {  	v3 =	vld [tilespmem:s20+$0x40D0]  }
0x7e: {  	v0 =	vadd.f32 v1, v0  }
0x7f: {  	v1 =	vld [tilespmem:s20+$0x4110]  }
0x80: {  	v0 =	vadd.f32 v2, v0  }
0x81: {  	v2 =	vld [tilespmem:s20+$0x4150]  }
0x82: {  	v0 =	vadd.f32 v3, v0  }
0x83: {  	v3 =	vld [tilespmem:s20+$0x4190]  }
0x84: {  	v0 =	vadd.f32 v1, v0  }
0x85: {  	v1 =	vld [tilespmem:s20+$0x41D0]  }
0x86: {  	v0 =	vadd.f32 v2, v0;
	_ =	sdelay $0x1  }
0x87: {  	v0 =	vadd.f32 v3, v0;
	_ =	sdelay $0x1  }
0x88: {  	v0 =	vadd.f32 v1, v0;
	_ =	sdelay $0x1  }
0x89: {  	[tilespmem:s21+$0xFFFFFFD0] =	vst v0  }
0x8a: {  	v0 =	vld [tilespmem:s20+$0x4020]  }
0x8b: {  	v1 =	vld [tilespmem:s20+$0x4060];
	_ =	sdelay $0x1  }
0x8c: {  	v2 =	vld [tilespmem:s20+$0x40A0];
	_ =	sdelay $0x1  }
0x8d: {  	v3 =	vld [tilespmem:s20+$0x40E0]  }
0x8e: {  	v0 =	vadd.f32 v1, v0  }
0x8f: {  	v1 =	vld [tilespmem:s20+$0x4120]  }
0x90: {  	v0 =	vadd.f32 v2, v0  }
0x91: {  	v2 =	vld [tilespmem:s20+$0x4160]  }
0x92: {  	v0 =	vadd.f32 v3, v0  }
0x93: {  	v3 =	vld [tilespmem:s20+$0x41A0]  }
0x94: {  	v0 =	vadd.f32 v1, v0  }
0x95: {  	v1 =	vld [tilespmem:s20+$0x41E0]  }
0x96: {  	v0 =	vadd.f32 v2, v0;
	_ =	sdelay $0x1  }
0x97: {  	v0 =	vadd.f32 v3, v0;
	_ =	sdelay $0x1  }
0x98: {  	v0 =	vadd.f32 v1, v0;
	_ =	sdelay $0x1  }
0x99: {  	[tilespmem:s21+$0xFFFFFFE0] =	vst v0  }
0x9a: {  	v0 =	vld [tilespmem:s20+$0x4030]  }
0x9b: {  	v1 =	vld [tilespmem:s20+$0x4070];
	_ =	sdelay $0x1  }
0x9c: {  	v2 =	vld [tilespmem:s20+$0x40B0];
	_ =	sdelay $0x1  }
0x9d: {  	v3 =	vld [tilespmem:s20+$0x40F0]  }
0x9e: {  	v0 =	vadd.f32 v1, v0  }
0x9f: {  	v1 =	vld [tilespmem:s20+$0x4130]  }
0xa0: {  	v0 =	vadd.f32 v2, v0  }
0xa1: {  	v2 =	vld [tilespmem:s20+$0x4170]  }
0xa2: {  	v0 =	vadd.f32 v3, v0  }
0xa3: {  	v3 =	vld [tilespmem:s20+$0x41B0]  }
0xa4: {  	v0 =	vadd.f32 v1, v0  }
0xa5: {  	v1 =	vld [tilespmem:s20+$0x41F0]  }
0xa6: {  	v0 =	vadd.f32 v2, v0;
	_ =	sdelay $0x1  }
0xa7: {  	v0 =	vadd.f32 v3, v0;
	_ =	sdelay $0x1  }
0xa8: {  	v0 =	vadd.f32 v1, v0;
	_ =	sdelay $0x1  }
0xa9: {  	[tilespmem:s21+$0xFFFFFFF0] =	vst v0  }
0xaa: {  	v0 =	vld [tilespmem:s20+$0x6000]  }
0xab: {  	v1 =	vld [tilespmem:s20+$0x6040];
	_ =	sdelay $0x1  }
0xac: {  	v2 =	vld [tilespmem:s20+$0x6080];
	_ =	sdelay $0x1  }
0xad: {  	v3 =	vld [tilespmem:s20+$0x60C0]  }
0xae: {  	v0 =	vadd.f32 v1, v0  }
0xaf: {  	v1 =	vld [tilespmem:s20+$0x6100]  }
0xb0: {  	v0 =	vadd.f32 v2, v0  }
0xb1: {  	v2 =	vld [tilespmem:s20+$0x6140]  }
0xb2: {  	v0 =	vadd.f32 v3, v0  }
0xb3: {  	v3 =	vld [tilespmem:s20+$0x6180]  }
0xb4: {  	v0 =	vadd.f32 v1, v0  }
0xb5: {  	v1 =	vld [tilespmem:s20+$0x61C0]  }
0xb6: {  	v0 =	vadd.f32 v2, v0;
	_ =	sdelay $0x1  }
0xb7: {  	v0 =	vadd.f32 v3, v0;
	_ =	sdelay $0x1  }
0xb8: {  	v0 =	vadd.f32 v1, v0;
	_ =	sdelay $0x1  }
0xb9: {  	[tilespmem:s21+$0x0] =	vst v0  }
0xba: {  	v0 =	vld [tilespmem:s20+$0x6010]  }
0xbb: {  	v1 =	vld [tilespmem:s20+$0x6050];
	_ =	sdelay $0x1  }
0xbc: {  	v2 =	vld [tilespmem:s20+$0x6090];
	_ =	sdelay $0x1  }
0xbd: {  	v3 =	vld [tilespmem:s20+$0x60D0]  }
0xbe: {  	v0 =	vadd.f32 v1, v0  }
0xbf: {  	v1 =	vld [tilespmem:s20+$0x6110]  }
0xc0: {  	v0 =	vadd.f32 v2, v0  }
0xc1: {  	v2 =	vld [tilespmem:s20+$0x6150]  }
0xc2: {  	v0 =	vadd.f32 v3, v0  }
0xc3: {  	v3 =	vld [tilespmem:s20+$0x6190]  }
0xc4: {  	v0 =	vadd.f32 v1, v0  }
0xc5: {  	v1 =	vld [tilespmem:s20+$0x61D0]  }
0xc6: {  	v0 =	vadd.f32 v2, v0;
	_ =	sdelay $0x1  }
0xc7: {  	v0 =	vadd.f32 v3, v0;
	_ =	sdelay $0x1  }
0xc8: {  	v0 =	vadd.f32 v1, v0;
	_ =	sdelay $0x1  }
0xc9: {  	[tilespmem:s21+$0x10] =	vst v0  }
0xca: {  	v0 =	vld [tilespmem:s20+$0x6020]  }
0xcb: {  	v1 =	vld [tilespmem:s20+$0x6060];
	_ =	sdelay $0x1  }
0xcc: {  	v2 =	vld [tilespmem:s20+$0x60A0];
	_ =	sdelay $0x1  }
0xcd: {  	v3 =	vld [tilespmem:s20+$0x60E0]  }
0xce: {  	v0 =	vadd.f32 v1, v0  }
0xcf: {  	v1 =	vld [tilespmem:s20+$0x6120]  }
0xd0: {  	v0 =	vadd.f32 v2, v0  }
0xd1: {  	v2 =	vld [tilespmem:s20+$0x6160]  }
0xd2: {  	v0 =	vadd.f32 v3, v0  }
0xd3: {  	v3 =	vld [tilespmem:s20+$0x61A0]  }
0xd4: {  	v0 =	vadd.f32 v1, v0  }
0xd5: {  	v1 =	vld [tilespmem:s20+$0x61E0]  }
0xd6: {  	v0 =	vadd.f32 v2, v0;
	_ =	sdelay $0x1  }
0xd7: {  	v0 =	vadd.f32 v3, v0;
	_ =	sdelay $0x1  }
0xd8: {  	v0 =	vadd.f32 v1, v0;
	_ =	sdelay $0x1  }
0xd9: {  	[tilespmem:s21+$0x20] =	vst v0  }
0xda: {  	v0 =	vld [tilespmem:s20+$0x6030]  }
0xdb: {  	v1 =	vld [tilespmem:s20+$0x6070];
	_ =	sdelay $0x1  }
0xdc: {  	v2 =	vld [tilespmem:s20+$0x60B0];
	_ =	sdelay $0x1  }
0xdd: {  	v3 =	vld [tilespmem:s20+$0x60F0]  }
0xde: {  	v0 =	vadd.f32 v1, v0  }
0xdf: {  	v1 =	vld [tilespmem:s20+$0x6130]  }
0xe0: {  	v0 =	vadd.f32 v2, v0  }
0xe1: {  	v2 =	vld [tilespmem:s20+$0x6170]  }
0xe2: {  	v0 =	vadd.f32 v3, v0  }
0xe3: {  	v3 =	vld [tilespmem:s20+$0x61B0]  }
0xe4: {  	v0 =	vadd.f32 v1, v0  }
0xe5: {  	v1 =	vld [tilespmem:s20+$0x61F0]  }
0xe6: {  	v0 =	vadd.f32 v2, v0;
	_ =	sdelay $0x1  }
0xe7: {  	v0 =	vadd.f32 v3, v0;
	_ =	sdelay $0x1  }
0xe8: {  	v0 =	vadd.f32 v1, v0;
	_ =	sdelay $0x1  }
0xe9: {  	[tilespmem:s21+$0x30] =	vst v0  }
0xea: {  	v0 =	vld [tilespmem:s20+$0x8000]  }
0xeb: {  	v1 =	vld [tilespmem:s20+$0x8040];
	_ =	sdelay $0x1  }
0xec: {  	v2 =	vld [tilespmem:s20+$0x8080];
	_ =	sdelay $0x1  }
0xed: {  	v3 =	vld [tilespmem:s20+$0x80C0]  }
0xee: {  	v0 =	vadd.f32 v1, v0  }
0xef: {  	v1 =	vld [tilespmem:s20+$0x8100]  }
0xf0: {  	v0 =	vadd.f32 v2, v0  }
0xf1: {  	v2 =	vld [tilespmem:s20+$0x8140]  }
0xf2: {  	v0 =	vadd.f32 v3, v0  }
0xf3: {  	v3 =	vld [tilespmem:s20+$0x8180]  }
0xf4: {  	v0 =	vadd.f32 v1, v0  }
0xf5: {  	v1 =	vld [tilespmem:s20+$0x81C0]  }
0xf6: {  	v0 =	vadd.f32 v2, v0;
	_ =	sdelay $0x1  }
0xf7: {  	v0 =	vadd.f32 v3, v0;
	_ =	sdelay $0x1  }
0xf8: {  	v0 =	vadd.f32 v1, v0;
	_ =	sdelay $0x1  }
0xf9: {  	[tilespmem:s21+$0x40] =	vst v0  }
0xfa: {  	v0 =	vld [tilespmem:s20+$0x8010]  }
0xfb: {  	v1 =	vld [tilespmem:s20+$0x8050];
	_ =	sdelay $0x1  }
0xfc: {  	v2 =	vld [tilespmem:s20+$0x8090];
	_ =	sdelay $0x1  }
0xfd: {  	v3 =	vld [tilespmem:s20+$0x80D0]  }
0xfe: {  	v0 =	vadd.f32 v1, v0  }
0xff: {  	v1 =	vld [tilespmem:s20+$0x8110]  }
0x100: {  	v0 =	vadd.f32 v2, v0  }
0x101: {  	v2 =	vld [tilespmem:s20+$0x8150]  }
0x102: {  	v0 =	vadd.f32 v3, v0  }
0x103: {  	v3 =	vld [tilespmem:s20+$0x8190]  }
0x104: {  	v0 =	vadd.f32 v1, v0  }
0x105: {  	v1 =	vld [tilespmem:s20+$0x81D0]  }
0x106: {  	v0 =	vadd.f32 v2, v0;
	_ =	sdelay $0x1  }
0x107: {  	v0 =	vadd.f32 v3, v0;
	_ =	sdelay $0x1  }
0x108: {  	v0 =	vadd.f32 v1, v0;
	_ =	sdelay $0x1  }
0x109: {  	[tilespmem:s21+$0x50] =	vst v0  }
0x10a: {  	v0 =	vld [tilespmem:s20+$0x8020]  }
0x10b: {  	v1 =	vld [tilespmem:s20+$0x8060];
	_ =	sdelay $0x1  }
0x10c: {  	v2 =	vld [tilespmem:s20+$0x80A0];
	_ =	sdelay $0x1  }
0x10d: {  	v3 =	vld [tilespmem:s20+$0x80E0]  }
0x10e: {  	v0 =	vadd.f32 v1, v0  }
0x10f: {  	v1 =	vld [tilespmem:s20+$0x8120]  }
0x110: {  	v0 =	vadd.f32 v2, v0  }
0x111: {  	v2 =	vld [tilespmem:s20+$0x8160]  }
0x112: {  	v0 =	vadd.f32 v3, v0  }
0x113: {  	v3 =	vld [tilespmem:s20+$0x81A0]  }
0x114: {  	v0 =	vadd.f32 v1, v0  }
0x115: {  	v1 =	vld [tilespmem:s20+$0x81E0]  }
0x116: {  	v0 =	vadd.f32 v2, v0;
	_ =	sdelay $0x1  }
0x117: {  	v0 =	vadd.f32 v3, v0;
	_ =	sdelay $0x1  }
0x118: {  	v0 =	vadd.f32 v1, v0;
	_ =	sdelay $0x1  }
0x119: {  	[tilespmem:s21+$0x60] =	vst v0  }
0x11a: {  	v0 =	vld [tilespmem:s20+$0x8030]  }
0x11b: {  	v2 =	vld [tilespmem:s20+$0x8070]  }
0x11c: {  	s23 =	simm.s32 $0x800;
	s22 =	simm.s32 $0xA080;
	v1 =	vld [tilespmem:s20+$0x80B0]  }
.LBB2_3:
0x11d: {  	p0 =	sne.s32 s23, $0x7800  }
0x11e: {  	v3 =	vld [tilespmem:s20+$0x80F0];
	s21 =	sadd.s32 $0x100, s21;
	s24 =	smov.u32 s23;
	s23 =	sadd.s32 $0x800, s23  }
0x11f: {  	v4 =	vld [tilespmem:s20+$0x8130]  }
0x120: {  	v5 =	vld [tilespmem:s20+$0x8170]  }
0x121: {  	v0 =	vadd.f32 v2, v0;
	v2 =	vld [tilespmem:s20+$0x81B0]  }
0x122: {  	v6 =	vld [tilespmem:s20+$0x81F0]  }
0x123: {  	v0 =	vadd.f32 v1, v0;
	_ =	sdelay $0x1  }
0x124: {  	v0 =	vadd.f32 v3, v0;
	_ =	sdelay $0x1  }
0x125: {  	v0 =	vadd.f32 v4, v0;
	_ =	sdelay $0x1  }
0x126: {  	v0 =	vadd.f32 v5, v0;
	_ =	sdelay $0x1  }
0x127: {  	v0 =	vadd.f32 v2, v0;
	_ =	sdelay $0x1  }
0x128: {  	v0 =	vadd.f32 v6, v0  }
0x129: {  	s20 =	sshra.s32 s24, $0x2  }
0x12a: {  	[tilespmem:s22+$0x70] =	vst v0;
	s22 =	smov.u32 s21  }
0x12b: {  	v0 =	vld [tilespmem:s20+$0x2000]  }
0x12c: {  	v1 =	vld [tilespmem:s20+$0x2040]  }
0x12d: {  	v2 =	vld [tilespmem:s20+$0x2080];
	_ =	sdelay $0x1  }
0x12e: {  	v3 =	vld [tilespmem:s20+$0x20C0];
	_ =	sdelay $0x1  }
0x12f: {  	v0 =	vadd.f32 v1, v0;
	v1 =	vld [tilespmem:s20+$0x2100];
	_ =	sdelay $0x1  }
0x130: {  	v0 =	vadd.f32 v2, v0;
	v2 =	vld [tilespmem:s20+$0x2140];
	_ =	sdelay $0x1  }
0x131: {  	v0 =	vadd.f32 v3, v0;
	v3 =	vld [tilespmem:s20+$0x2180];
	_ =	sdelay $0x1  }
0x132: {  	v0 =	vadd.f32 v1, v0;
	v1 =	vld [tilespmem:s20+$0x21C0];
	_ =	sdelay $0x1  }
0x133: {  	v0 =	vadd.f32 v2, v0;
	_ =	sdelay $0x1  }
0x134: {  	v0 =	vadd.f32 v3, v0;
	_ =	sdelay $0x1  }
0x135: {  	v0 =	vadd.f32 v1, v0;
	_ =	sdelay $0x1  }
0x136: {  	[tilespmem:s21+$0xFFFFFF80] =	vst v0  }
0x137: {  	v0 =	vld [tilespmem:s20+$0x2010]  }
0x138: {  	v1 =	vld [tilespmem:s20+$0x2050];
	_ =	sdelay $0x1  }
0x139: {  	v2 =	vld [tilespmem:s20+$0x2090];
	_ =	sdelay $0x1  }
0x13a: {  	v3 =	vld [tilespmem:s20+$0x20D0]  }
0x13b: {  	v0 =	vadd.f32 v1, v0  }
0x13c: {  	v1 =	vld [tilespmem:s20+$0x2110]  }
0x13d: {  	v0 =	vadd.f32 v2, v0  }
0x13e: {  	v2 =	vld [tilespmem:s20+$0x2150]  }
0x13f: {  	v0 =	vadd.f32 v3, v0  }
0x140: {  	v3 =	vld [tilespmem:s20+$0x2190]  }
0x141: {  	v0 =	vadd.f32 v1, v0  }
0x142: {  	v1 =	vld [tilespmem:s20+$0x21D0]  }
0x143: {  	v0 =	vadd.f32 v2, v0;
	_ =	sdelay $0x1  }
0x144: {  	v0 =	vadd.f32 v3, v0;
	_ =	sdelay $0x1  }
0x145: {  	v0 =	vadd.f32 v1, v0;
	_ =	sdelay $0x1  }
0x146: {  	[tilespmem:s21+$0xFFFFFF90] =	vst v0  }
0x147: {  	v0 =	vld [tilespmem:s20+$0x2020]  }
0x148: {  	v1 =	vld [tilespmem:s20+$0x2060];
	_ =	sdelay $0x1  }
0x149: {  	v2 =	vld [tilespmem:s20+$0x20A0];
	_ =	sdelay $0x1  }
0x14a: {  	v3 =	vld [tilespmem:s20+$0x20E0]  }
0x14b: {  	v0 =	vadd.f32 v1, v0  }
0x14c: {  	v1 =	vld [tilespmem:s20+$0x2120]  }
0x14d: {  	v0 =	vadd.f32 v2, v0  }
0x14e: {  	v2 =	vld [tilespmem:s20+$0x2160]  }
0x14f: {  	v0 =	vadd.f32 v3, v0  }
0x150: {  	v3 =	vld [tilespmem:s20+$0x21A0]  }
0x151: {  	v0 =	vadd.f32 v1, v0  }
0x152: {  	v1 =	vld [tilespmem:s20+$0x21E0]  }
0x153: {  	v0 =	vadd.f32 v2, v0;
	_ =	sdelay $0x1  }
0x154: {  	v0 =	vadd.f32 v3, v0;
	_ =	sdelay $0x1  }
0x155: {  	v0 =	vadd.f32 v1, v0;
	_ =	sdelay $0x1  }
0x156: {  	[tilespmem:s21+$0xFFFFFFA0] =	vst v0  }
0x157: {  	v0 =	vld [tilespmem:s20+$0x2030]  }
0x158: {  	v1 =	vld [tilespmem:s20+$0x2070]  }
0x159: {  	v2 =	vld [tilespmem:s20+$0x20B0]  }
0x15a: {  	v3 =	vld [tilespmem:s20+$0x2170];
	_ =	sdelay $0x1  }
0x15b: {  	v4 =	vld [tilespmem:s20+$0x20F0]  }
0x15c: {  	v0 =	vadd.f32 v1, v0  }
0x15d: {  	v1 =	vld [tilespmem:s20+$0x2130]  }
0x15e: {  	v0 =	vadd.f32 v2, v0;
	_ =	sdelay $0x1  }
0x15f: {  	v0 =	vadd.f32 v4, v0  }
0x160: {  	v2 =	vld [tilespmem:s20+$0x21B0]  }
0x161: {  	v0 =	vadd.f32 v1, v0  }
0x162: {  	v1 =	vld [tilespmem:s20+$0x21F0]  }
0x163: {  	v0 =	vadd.f32 v3, v0;
	_ =	sdelay $0x1  }
0x164: {  	v0 =	vadd.f32 v2, v0;
	_ =	sdelay $0x1  }
0x165: {  	v0 =	vadd.f32 v1, v0;
	_ =	sdelay $0x1  }
0x166: {  	[tilespmem:s21+$0xFFFFFFB0] =	vst v0  }
0x167: {  	v0 =	vld [tilespmem:s20+$0x4000]  }
0x168: {  	v1 =	vld [tilespmem:s20+$0x4040];
	_ =	sdelay $0x1  }
0x169: {  	v2 =	vld [tilespmem:s20+$0x4080];
	_ =	sdelay $0x1  }
0x16a: {  	v3 =	vld [tilespmem:s20+$0x40C0]  }
0x16b: {  	v0 =	vadd.f32 v1, v0  }
0x16c: {  	v1 =	vld [tilespmem:s20+$0x4100]  }
0x16d: {  	v0 =	vadd.f32 v2, v0  }
0x16e: {  	v2 =	vld [tilespmem:s20+$0x4140]  }
0x16f: {  	v0 =	vadd.f32 v3, v0  }
0x170: {  	v3 =	vld [tilespmem:s20+$0x4180]  }
0x171: {  	v0 =	vadd.f32 v1, v0  }
0x172: {  	v1 =	vld [tilespmem:s20+$0x41C0]  }
0x173: {  	v0 =	vadd.f32 v2, v0;
	_ =	sdelay $0x1  }
0x174: {  	v0 =	vadd.f32 v3, v0;
	_ =	sdelay $0x1  }
0x175: {  	v0 =	vadd.f32 v1, v0;
	_ =	sdelay $0x1  }
0x176: {  	[tilespmem:s21+$0xFFFFFFC0] =	vst v0  }
0x177: {  	v0 =	vld [tilespmem:s20+$0x4010]  }
0x178: {  	v1 =	vld [tilespmem:s20+$0x4050]  }
0x179: {  	v2 =	vld [tilespmem:s20+$0x40D0]  }
0x17a: {  	v3 =	vld [tilespmem:s20+$0x4090];
	_ =	sdelay $0x2  }
0x17b: {  	v0 =	vadd.f32 v1, v0  }
0x17c: {  	v1 =	vld [tilespmem:s20+$0x4110]  }
0x17d: {  	v0 =	vadd.f32 v3, v0  }
0x17e: {  	v3 =	vld [tilespmem:s20+$0x4150]  }
0x17f: {  	v0 =	vadd.f32 v2, v0  }
0x180: {  	v2 =	vld [tilespmem:s20+$0x4190]  }
0x181: {  	v0 =	vadd.f32 v1, v0  }
0x182: {  	v1 =	vld [tilespmem:s20+$0x41D0]  }
0x183: {  	v0 =	vadd.f32 v3, v0;
	_ =	sdelay $0x1  }
0x184: {  	v0 =	vadd.f32 v2, v0;
	_ =	sdelay $0x1  }
0x185: {  	v0 =	vadd.f32 v1, v0;
	_ =	sdelay $0x1  }
0x186: {  	[tilespmem:s21+$0xFFFFFFD0] =	vst v0  }
0x187: {  	v0 =	vld [tilespmem:s20+$0x4020]  }
0x188: {  	v1 =	vld [tilespmem:s20+$0x4060]  }
0x189: {  	v2 =	vld [tilespmem:s20+$0x40E0]  }
0x18a: {  	v3 =	vld [tilespmem:s20+$0x40A0]  }
0x18b: {  	v4 =	vld [tilespmem:s20+$0x4120];
	_ =	sdelay $0x1  }
0x18c: {  	v0 =	vadd.f32 v1, v0;
	_ =	sdelay $0x1  }
0x18d: {  	v0 =	vadd.f32 v3, v0  }
0x18e: {  	v1 =	vld [tilespmem:s20+$0x4160]  }
0x18f: {  	v0 =	vadd.f32 v2, v0  }
0x190: {  	v2 =	vld [tilespmem:s20+$0x41A0]  }
0x191: {  	v0 =	vadd.f32 v4, v0  }
0x192: {  	v3 =	vld [tilespmem:s20+$0x41E0]  }
0x193: {  	v0 =	vadd.f32 v1, v0;
	_ =	sdelay $0x1  }
0x194: {  	v0 =	vadd.f32 v2, v0;
	_ =	sdelay $0x1  }
0x195: {  	v0 =	vadd.f32 v3, v0;
	_ =	sdelay $0x1  }
0x196: {  	[tilespmem:s21+$0xFFFFFFE0] =	vst v0  }
0x197: {  	v0 =	vld [tilespmem:s20+$0x4030]  }
0x198: {  	v1 =	vld [tilespmem:s20+$0x4070]  }
0x199: {  	v2 =	vld [tilespmem:s20+$0x40B0];
	_ =	sdelay $0x2  }
0x19a: {  	v3 =	vld [tilespmem:s20+$0x40F0]  }
0x19b: {  	v0 =	vadd.f32 v1, v0  }
0x19c: {  	v1 =	vld [tilespmem:s20+$0x4130]  }
0x19d: {  	v0 =	vadd.f32 v2, v0  }
0x19e: {  	v2 =	vld [tilespmem:s20+$0x4170]  }
0x19f: {  	v0 =	vadd.f32 v3, v0  }
0x1a0: {  	v3 =	vld [tilespmem:s20+$0x41B0]  }
0x1a1: {  	v0 =	vadd.f32 v1, v0  }
0x1a2: {  	v1 =	vld [tilespmem:s20+$0x41F0]  }
0x1a3: {  	v0 =	vadd.f32 v2, v0;
	_ =	sdelay $0x1  }
0x1a4: {  	v0 =	vadd.f32 v3, v0;
	_ =	sdelay $0x1  }
0x1a5: {  	v0 =	vadd.f32 v1, v0;
	_ =	sdelay $0x1  }
0x1a6: {  	[tilespmem:s21+$0xFFFFFFF0] =	vst v0  }
0x1a7: {  	v0 =	vld [tilespmem:s20+$0x6000]  }
0x1a8: {  	v1 =	vld [tilespmem:s20+$0x6040]  }
0x1a9: {  	v2 =	vld [tilespmem:s20+$0x6080];
	_ =	sdelay $0x2  }
0x1aa: {  	v3 =	vld [tilespmem:s20+$0x60C0]  }
0x1ab: {  	v0 =	vadd.f32 v1, v0  }
0x1ac: {  	v1 =	vld [tilespmem:s20+$0x6100]  }
0x1ad: {  	v0 =	vadd.f32 v2, v0  }
0x1ae: {  	v2 =	vld [tilespmem:s20+$0x6140]  }
0x1af: {  	v0 =	vadd.f32 v3, v0  }
0x1b0: {  	v3 =	vld [tilespmem:s20+$0x6180]  }
0x1b1: {  	v0 =	vadd.f32 v1, v0  }
0x1b2: {  	v1 =	vld [tilespmem:s20+$0x61C0]  }
0x1b3: {  	v0 =	vadd.f32 v2, v0;
	_ =	sdelay $0x1  }
0x1b4: {  	v0 =	vadd.f32 v3, v0;
	_ =	sdelay $0x1  }
0x1b5: {  	v0 =	vadd.f32 v1, v0;
	_ =	sdelay $0x1  }
0x1b6: {  	[tilespmem:s21+$0x0] =	vst v0  }
0x1b7: {  	v0 =	vld [tilespmem:s20+$0x6010]  }
0x1b8: {  	v1 =	vld [tilespmem:s20+$0x6050]  }
0x1b9: {  	v2 =	vld [tilespmem:s20+$0x6090]  }
0x1ba: {  	v3 =	vld [tilespmem:s20+$0x60D0]  }
0x1bb: {  	v4 =	vld [tilespmem:s20+$0x6110]  }
0x1bc: {  	v5 =	vld [tilespmem:s20+$0x6150]  }
0x1bd: {  	v0 =	vadd.f32 v1, v0;
	v1 =	vld [tilespmem:s20+$0x6190]  }
0x1be: {  	v6 =	vld [tilespmem:s20+$0x61D0]  }
0x1bf: {  	v0 =	vadd.f32 v2, v0;
	_ =	sdelay $0x1  }
0x1c0: {  	v0 =	vadd.f32 v3, v0;
	_ =	sdelay $0x1  }
0x1c1: {  	v0 =	vadd.f32 v4, v0;
	_ =	sdelay $0x1  }
0x1c2: {  	v0 =	vadd.f32 v5, v0;
	_ =	sdelay $0x1  }
0x1c3: {  	v0 =	vadd.f32 v1, v0;
	_ =	sdelay $0x1  }
0x1c4: {  	v0 =	vadd.f32 v6, v0;
	_ =	sdelay $0x1  }
0x1c5: {  	[tilespmem:s21+$0x10] =	vst v0  }
0x1c6: {  	v0 =	vld [tilespmem:s20+$0x6020]  }
0x1c7: {  	v1 =	vld [tilespmem:s20+$0x6060]  }
0x1c8: {  	v2 =	vld [tilespmem:s20+$0x60A0]  }
0x1c9: {  	v3 =	vld [tilespmem:s20+$0x60E0]  }
0x1ca: {  	v4 =	vld [tilespmem:s20+$0x6120]  }
0x1cb: {  	v5 =	vld [tilespmem:s20+$0x6160]  }
0x1cc: {  	v0 =	vadd.f32 v1, v0;
	v1 =	vld [tilespmem:s20+$0x61A0]  }
0x1cd: {  	v6 =	vld [tilespmem:s20+$0x61E0]  }
0x1ce: {  	v0 =	vadd.f32 v2, v0;
	_ =	sdelay $0x1  }
0x1cf: {  	v0 =	vadd.f32 v3, v0;
	_ =	sdelay $0x1  }
0x1d0: {  	v0 =	vadd.f32 v4, v0;
	_ =	sdelay $0x1  }
0x1d1: {  	v0 =	vadd.f32 v5, v0;
	_ =	sdelay $0x1  }
0x1d2: {  	v0 =	vadd.f32 v1, v0;
	_ =	sdelay $0x1  }
0x1d3: {  	v0 =	vadd.f32 v6, v0;
	_ =	sdelay $0x1  }
0x1d4: {  	[tilespmem:s21+$0x20] =	vst v0  }
0x1d5: {  	v0 =	vld [tilespmem:s20+$0x6030]  }
0x1d6: {  	v1 =	vld [tilespmem:s20+$0x6070]  }
0x1d7: {  	v2 =	vld [tilespmem:s20+$0x60B0]  }
0x1d8: {  	v3 =	vld [tilespmem:s20+$0x60F0]  }
0x1d9: {  	v4 =	vld [tilespmem:s20+$0x6130]  }
0x1da: {  	v5 =	vld [tilespmem:s20+$0x6170]  }
0x1db: {  	v0 =	vadd.f32 v1, v0;
	v1 =	vld [tilespmem:s20+$0x61B0]  }
0x1dc: {  	v6 =	vld [tilespmem:s20+$0x61F0]  }
0x1dd: {  	v0 =	vadd.f32 v2, v0;
	_ =	sdelay $0x1  }
0x1de: {  	v0 =	vadd.f32 v3, v0;
	_ =	sdelay $0x1  }
0x1df: {  	v0 =	vadd.f32 v4, v0;
	_ =	sdelay $0x1  }
0x1e0: {  	v0 =	vadd.f32 v5, v0;
	_ =	sdelay $0x1  }
0x1e1: {  	v0 =	vadd.f32 v1, v0;
	_ =	sdelay $0x1  }
0x1e2: {  	v0 =	vadd.f32 v6, v0;
	_ =	sdelay $0x1  }
0x1e3: {  	[tilespmem:s21+$0x30] =	vst v0  }
0x1e4: {  	v0 =	vld [tilespmem:s20+$0x8000]  }
0x1e5: {  	v1 =	vld [tilespmem:s20+$0x8040]  }
0x1e6: {  	v2 =	vld [tilespmem:s20+$0x8080]  }
0x1e7: {  	v3 =	vld [tilespmem:s20+$0x80C0]  }
0x1e8: {  	v4 =	vld [tilespmem:s20+$0x8100]  }
0x1e9: {  	v5 =	vld [tilespmem:s20+$0x8140]  }
0x1ea: {  	v0 =	vadd.f32 v1, v0;
	v1 =	vld [tilespmem:s20+$0x8180]  }
0x1eb: {  	v6 =	vld [tilespmem:s20+$0x81C0]  }
0x1ec: {  	v0 =	vadd.f32 v2, v0;
	_ =	sdelay $0x1  }
0x1ed: {  	v0 =	vadd.f32 v3, v0;
	_ =	sdelay $0x1  }
0x1ee: {  	v0 =	vadd.f32 v4, v0;
	_ =	sdelay $0x1  }
0x1ef: {  	v0 =	vadd.f32 v5, v0;
	_ =	sdelay $0x1  }
0x1f0: {  	v0 =	vadd.f32 v1, v0;
	_ =	sdelay $0x1  }
0x1f1: {  	v0 =	vadd.f32 v6, v0;
	_ =	sdelay $0x1  }
0x1f2: {  	[tilespmem:s21+$0x40] =	vst v0  }
0x1f3: {  	v0 =	vld [tilespmem:s20+$0x8010]  }
0x1f4: {  	v1 =	vld [tilespmem:s20+$0x8050]  }
0x1f5: {  	v2 =	vld [tilespmem:s20+$0x8090]  }
0x1f6: {  	v3 =	vld [tilespmem:s20+$0x80D0]  }
0x1f7: {  	v4 =	vld [tilespmem:s20+$0x8110]  }
0x1f8: {  	v5 =	vld [tilespmem:s20+$0x8150]  }
0x1f9: {  	v0 =	vadd.f32 v1, v0;
	v1 =	vld [tilespmem:s20+$0x8190]  }
0x1fa: {  	v6 =	vld [tilespmem:s20+$0x81D0]  }
0x1fb: {  	v0 =	vadd.f32 v2, v0;
	_ =	sdelay $0x1  }
0x1fc: {  	v0 =	vadd.f32 v3, v0;
	_ =	sdelay $0x1  }
0x1fd: {  	v0 =	vadd.f32 v4, v0;
	_ =	sdelay $0x1  }
0x1fe: {  	v0 =	vadd.f32 v5, v0;
	_ =	sdelay $0x1  }
0x1ff: {  	v0 =	vadd.f32 v1, v0;
	_ =	sdelay $0x1  }
0x200: {  	v0 =	vadd.f32 v6, v0;
	_ =	sdelay $0x1  }
0x201: {  	[tilespmem:s21+$0x50] =	vst v0  }
0x202: {  	v0 =	vld [tilespmem:s20+$0x8020]  }
0x203: {  	v1 =	vld [tilespmem:s20+$0x8060]  }
0x204: {  	v2 =	vld [tilespmem:s20+$0x80A0]  }
0x205: {  	v3 =	vld [tilespmem:s20+$0x80E0]  }
0x206: {  	v4 =	vld [tilespmem:s20+$0x8120]  }
0x207: {  	v5 =	vld [tilespmem:s20+$0x8160]  }
0x208: {  	v0 =	vadd.f32 v1, v0;
	v1 =	vld [tilespmem:s20+$0x81A0]  }
0x209: {  	v6 =	vld [tilespmem:s20+$0x81E0]  }
0x20a: {  	v0 =	vadd.f32 v2, v0;
	_ =	sdelay $0x1  }
0x20b: {  	v0 =	vadd.f32 v3, v0;
	_ =	sdelay $0x1  }
0x20c: {  	v0 =	vadd.f32 v4, v0;
	_ =	sdelay $0x1  }
0x20d: {  	v0 =	vadd.f32 v5, v0;
	_ =	sdelay $0x1  }
0x20e: {  	v0 =	vadd.f32 v1, v0;
	_ =	sdelay $0x1  }
0x20f: {  	v0 =	vadd.f32 v6, v0  }
.Ltmp0:
0x210: {  	(pc) =	sbr.rel @p0 .LBB2_3-.Ltmp0, $4  }
0x211: {  	[tilespmem:s21+$0x60] =	vst v0  }
0x212: {  	v0 =	vld [tilespmem:s20+$0x8030]  }
0x213: {  	v2 =	vld [tilespmem:s20+$0x8070]  }
0x214: {  	v1 =	vld [tilespmem:s20+$0x80B0]  }
0x215: {  	_ =	sdelay $0x1  }
0x216: {  	v3 =	vld [tilespmem:s20+$0x80F0]  }
0x217: {  	v0 =	vadd.f32 v2, v0  }
0x218: {  	v60 =	vld [tilespmem:s20+$0x8130]  }
0x219: {  	v0 =	vadd.f32 v1, v0  }
0x21a: {  	v61 =	vld [tilespmem:s20+$0x8170]  }
0x21b: {  	v0 =	vadd.f32 v3, v0  }
0x21c: {  	v62 =	vld [tilespmem:s20+$0x81B0]  }
0x21d: {  	v0 =	vadd.f32 v60, v0  }
0x21e: {  	v63 =	vld [tilespmem:s20+$0x81F0]  }
0x21f: {  	v0 =	vadd.f32 v61, v0;
	_ =	sdelay $0x1  }
0x220: {  	v0 =	vadd.f32 v62, v0;
	_ =	sdelay $0x1  }
0x221: {  	s31 =	sshll.u32 s19, $0x9;
	s19 =	sadd.s32 $0x1, s19;
	v0 =	vadd.f32 v63, v0  }
0x222: {  	p0 =	sne.s32 s19, $0x20  }
.Ltmp1:
0x223: {  	s20 =	sadd.s32 s31, s7;
	[tilespmem:s22+$0x70] =	vst v0;
	(pc) =	sbr.rel @p0 .LBB2_2-.Ltmp1, $4  }
0x224: {  	[hbm4b:s20+s2] =	stream.linear.scatter [tilespmem:s17], [sflag:$0x2], $0x1000, $0x38;
	[tilespmem:$0xB000] =	vst v63  }
0x225: {  	_ =	swait.ge [sflag:s9], $0x1000  }
0x226: {  	[sflag:s9] =	ssyncset.done $0x0  }
0x227: {  	[sflag:s9] =	ssyncadd.s32 $0xFFFFF000  }
0x228: {  	s18 =	sadd.s32 $0x1, s18  }
0x229: {  	p0 =	sne.s32 s18, s8  }
.Ltmp2:
0x22a: {  	_ = 	snop;
	(pc) =	sbr.rel @p0 .LBB2_1-.Ltmp2, $1  }
0x22b: {  	_ =	sdelay $0x3  }
0x22c: {  	_ =	sfence.sel $0x180000  }
0x22d: {  	[bflag:$0x0] =	sbarrier.arrive $0xFFFF  }
0x22e: {  	p0 =	sne.s32 s1, $0x0;
	_ =	strace $0x90000047  }
0x22f: {  	s0 =	sadd.s32 @!p0 $0x100000, s0;
	[bflag:$0x2] =	sbarrier.arrive $0xFFFF  }
0x230: {  	[sflag:s0] =	ssyncadd.tile.s32 @!p0 $0x1;
	_ =	shalt  }
.Lfunc_end2:
_tile_overlayer_lowered:
.L_overlay_start_2:
0x231: {  	(tag) =	ssettag $0x2  }
0x232: {  	s0 =	rddreg [dreg:$0x0];
	s2 =	stileid.u32  }
0x233: {  	s1 =	rddreg [dreg:$0x1];
	p0 =	sne.s32 s2, $0x0  }
0x234: {  	s3 =	rddreg [dreg:$0x2];
	[bflag:$0x3] =	sbarrier.arrive $0xFFFF;
	s2 =	simm.s32 @!p0 $0x1C02  }
0x235: {  	[timem:s3], [sflag:s2] =	dma.local @!p0 [hbm:s0], s1  }
0x236: {  	s0 =	simm.s32 @!p0 $0x2  }
0x237: {  	_ =	swait.ge @!p0 [sflag:s0], s1  }
0x238: {  	s1 =	ssub.s32 @!p0 $0x0, s1;
	[sflag:s0] =	ssyncset.done @!p0 $0x0  }
0x239: {  	[sflag:s0] =	ssyncadd.s32 @!p0 s1  }
0x23a: {  	[bflag:$0x3] =	sbarrier.arrive $0xFFFF  }
0x23b: {  	_ =	shalt  }

</sc_bundles>
